<compile_context>
chip_gen: v7x
topology: tpu7x:2x2x1
jax: 0.10.2.dev20260603
libtpu: 0.0.44.dev20260713+nightly
codegen_flags: <defaults>
</compile_context>

<pallas_src>
import jax
import jax.numpy as jnp
from jax import lax
from jax.experimental import pallas as pl
from jax.experimental.pallas import tpu as pltpu
from jax.experimental.pallas import tpu_sc as plsc

B = 16384
D = 64
NC, NS, L = 2, 16, 16
NW = NC * NS
PER_W = B // NW
NCTX = 10

TAB_BLK = 8192
TAB_NBLK = 13
TAB_VPAD = TAB_NBLK * TAB_BLK
USR_BLK = 65536
USR_GRID = 16
USR_VPAD = USR_GRID * USR_BLK


def _tc_small_body(ctab_ref, itab_ref, gtab_ref, atab_ref, w_ref,
                   ctxdot_ref, itemdot_ref, gdot_ref, adot_ref):
    wc = (w_ref[pl.ds(192, D)] * 0.5)[None, :]
    ctxdot_ref[...] = jnp.dot(wc, ctab_ref[...],
                              preferred_element_type=jnp.float32)[0]
    wi = w_ref[pl.ds(256, D)][None, :]
    itemdot_ref[...] = jnp.dot(wi, itab_ref[...],
                               preferred_element_type=jnp.float32)[0]

    @pl.when(pl.program_id(0) == 0)
    def _():
        wg = w_ref[pl.ds(64, D)]
        wa = w_ref[pl.ds(128, D)]
        gdot_ref[...] = jnp.dot(gtab_ref[...], wg,
                                preferred_element_type=jnp.float32)
        adot_ref[...] = jnp.dot(atab_ref[...], wa,
                                preferred_element_type=jnp.float32)


def _tc_small(ctabT, itabT, gtab_pad, atab_pad, w_pad):
    return pl.pallas_call(
        _tc_small_body,
        grid=(TAB_NBLK,),
        in_specs=[
            pl.BlockSpec((D, TAB_BLK), lambda i: (0, i)),
            pl.BlockSpec((D, TAB_BLK), lambda i: (0, i)),
            pl.BlockSpec((128, D), lambda i: (0, 0)),
            pl.BlockSpec((128, D), lambda i: (0, 0)),
            pl.BlockSpec((336,), lambda i: (0,)),
        ],
        out_specs=[
            pl.BlockSpec((TAB_BLK,), lambda i: (i,)),
            pl.BlockSpec((TAB_BLK,), lambda i: (i,)),
            pl.BlockSpec((128,), lambda i: (0,)),
            pl.BlockSpec((128,), lambda i: (0,)),
        ],
        out_shape=[
            jax.ShapeDtypeStruct((TAB_VPAD,), jnp.float32),
            jax.ShapeDtypeStruct((TAB_VPAD,), jnp.float32),
            jax.ShapeDtypeStruct((128,), jnp.float32),
            jax.ShapeDtypeStruct((128,), jnp.float32),
        ],
    )(ctabT, itabT, gtab_pad, atab_pad, w_pad)


def _tc_user_body(utab_ref, w_ref, userdot_ref):
    wu = w_ref[pl.ds(0, D)]
    rowd = lax.broadcasted_iota(jnp.int32, (8, D), 0)
    cold = lax.broadcasted_iota(jnp.int32, (8, D), 1)
    w8 = jnp.where((cold >> 3) == rowd, wu[None, :], 0.0)
    out8 = jnp.dot(w8, utab_ref[...], preferred_element_type=jnp.float32)
    userdot_ref[...] = jnp.sum(out8, axis=0)


def _tc_user(utabT, w_pad):
    return pl.pallas_call(
        _tc_user_body,
        grid=(USR_GRID,),
        in_specs=[
            pl.BlockSpec((D, USR_BLK), lambda i: (0, i)),
            pl.BlockSpec((336,), lambda i: (0,)),
        ],
        out_specs=pl.BlockSpec((USR_BLK,), lambda i: (i,)),
        out_shape=jax.ShapeDtypeStruct((USR_VPAD,), jnp.float32),
    )(utabT, w_pad)


def _sc_a_body(gidx_h, aidx_h, cidx_h, iidx_h, upc_h,
               ctxdot_h, itemdot_h, gdot_h, adot_h, w_h,
               partial_h,
               w_v, gdot_v, adot_v, gidx_v, aidx_v, iidx_v, upc_v,
               cidx_v, ctxsc_v, itemsc_v, out_v, sem):
    wid = lax.axis_index("s") * NC + lax.axis_index("c")
    base = wid * PER_W

    pltpu.sync_copy(w_h, w_v)
    pltpu.sync_copy(gdot_h, gdot_v)
    pltpu.sync_copy(adot_h, adot_v)
    pltpu.sync_copy(gidx_h.at[pl.ds(base, PER_W)], gidx_v)
    pltpu.sync_copy(aidx_h.at[pl.ds(base, PER_W)], aidx_v)
    pltpu.sync_copy(iidx_h.at[pl.ds(base, PER_W)], iidx_v)
    pltpu.sync_copy(upc_h.at[pl.ds(base, PER_W)], upc_v)
    for c in range(NCTX):
        pltpu.sync_copy(cidx_h.at[pl.ds(c * B + base, PER_W)],
                        cidx_v.at[pl.ds(c * PER_W, PER_W)])

    cps = []
    for j in range(PER_W // 128):
        cps.append(pltpu.async_copy(
            itemdot_h.at[iidx_v.at[pl.ds(j * 128, 128)]],
            itemsc_v.at[pl.ds(j * 128, 128)], sem))
    for j in range(PER_W * NCTX // 128):
        cps.append(pltpu.async_copy(
            ctxdot_h.at[cidx_v.at[pl.ds(j * 128, 128)]],
            ctxsc_v.at[pl.ds(j * 128, 128)], sem))
    for cp in cps:
        cp.wait()

    wtail = w_v[pl.ds(320, 16)]
    w_last = wtail[0]
    bias = wtail[1]

    def group_body(g, _):
        gb = g * L
        out16 = plsc.load_gather(gdot_v, [gidx_v[pl.ds(gb, L)]])
        out16 = out16 + plsc.load_gather(adot_v, [aidx_v[pl.ds(gb, L)]])
        out16 = out16 + itemsc_v[pl.ds(gb, L)]
        for c in range(NCTX):
            out16 = out16 + ctxsc_v[pl.ds(c * PER_W + gb, L)]
        out16 = out16 + upc_v[pl.ds(gb, L)] * w_last + bias
        out_v[pl.ds(gb, L)] = out16
        return 0

    lax.fori_loop(0, PER_W // L, group_body, 0)
    pltpu.sync_copy(out_v, partial_h.at[pl.ds(base, PER_W)])


def _sc_b_body(uidx_h, partial_h, userdot_h,
               out_h,
               uidx_v, partial_v, usersc_v, sem):
    wid = lax.axis_index("s") * NC + lax.axis_index("c")
    base = wid * PER_W

    pltpu.sync_copy(uidx_h.at[pl.ds(base, PER_W)], uidx_v)
    pltpu.sync_copy(partial_h.at[pl.ds(base, PER_W)], partial_v)

    cps = []
    for j in range(PER_W // 128):
        cps.append(pltpu.async_copy(
            userdot_h.at[uidx_v.at[pl.ds(j * 128, 128)]],
            usersc_v.at[pl.ds(j * 128, 128)], sem))
    for cp in cps:
        cp.wait()

    def group_body(g, _):
        gb = g * L
        usersc_v[pl.ds(gb, L)] = (usersc_v[pl.ds(gb, L)]
                                  + partial_v[pl.ds(gb, L)])
        return 0

    lax.fori_loop(0, PER_W // L, group_body, 0)
    pltpu.sync_copy(usersc_v, out_h.at[pl.ds(base, PER_W)])


@jax.jit
def _run(user_idx, gender, age, context_idx, item_idx, upc,
         user_table, gender_table, age_table, context_table, item_table,
         W_dense, b_dense):
    w_pad = jnp.concatenate(
        [W_dense[:, 0], b_dense, jnp.zeros((336 - 322,), jnp.float32)])
    gtab_pad = jnp.pad(gender_table, ((0, 124), (0, 0)))
    atab_pad = jnp.pad(age_table, ((0, 28), (0, 0)))
    ctxdot, itemdot, gdot, adot = _tc_small(
        context_table.T, item_table.T, gtab_pad, atab_pad, w_pad)

    cidxT = context_idx.T.reshape(B * NCTX)

    mesh = plsc.VectorSubcoreMesh(core_axis_name="c", subcore_axis_name="s",
                                  num_cores=NC, num_subcores=NS)
    sc_params = pltpu.CompilerParams(
        needs_layout_passes=False, use_tc_tiling_on_sc=False)

    fa = pl.kernel(
        _sc_a_body,
        out_type=jax.ShapeDtypeStruct((B,), jnp.float32),
        mesh=mesh,
        compiler_params=sc_params,
        scratch_types=[
            pltpu.VMEM((336,), jnp.float32),
            pltpu.VMEM((128,), jnp.float32),
            pltpu.VMEM((128,), jnp.float32),
            pltpu.VMEM((PER_W,), jnp.int32),
            pltpu.VMEM((PER_W,), jnp.int32),
            pltpu.VMEM((PER_W,), jnp.int32),
            pltpu.VMEM((PER_W,), jnp.float32),
            pltpu.VMEM((PER_W * NCTX,), jnp.int32),
            pltpu.VMEM((PER_W * NCTX,), jnp.float32),
            pltpu.VMEM((PER_W,), jnp.float32),
            pltpu.VMEM((PER_W,), jnp.float32),
            pltpu.SemaphoreType.DMA,
        ],
    )
    partial = fa(gender, age, cidxT, item_idx, upc,
                 ctxdot, itemdot, gdot, adot, w_pad)

    userdot = _tc_user(user_table.T, w_pad)

    fb = pl.kernel(
        _sc_b_body,
        out_type=jax.ShapeDtypeStruct((B,), jnp.float32),
        mesh=mesh,
        compiler_params=sc_params,
        scratch_types=[
            pltpu.VMEM((PER_W,), jnp.int32),
            pltpu.VMEM((PER_W,), jnp.float32),
            pltpu.VMEM((PER_W,), jnp.float32),
            pltpu.SemaphoreType.DMA,
        ],
    )
    out = fb(user_idx, partial, userdot)
    return out.reshape(B, 1)


def kernel(user_idx, gender, age, context_idx, item_idx, user_product_count,
           user_table, gender_table, age_table, context_table, item_table,
           W_dense, b_dense):
    return _run(user_idx, gender, age, context_idx, item_idx,
                user_product_count, user_table, gender_table, age_table,
                context_table, item_table, W_dense, b_dense)

# --- scband reference (transcript-rebuilt; emitter-appended) ---
"""Pipeline reference for scband-serving-model-15049565405739 (READ-ONLY COPY).

The authoritative reference and input builder live on the scoring server;
editing this copy changes nothing except your own understanding.
"""

import jax, jax.numpy as jnp
import numpy as np

B = 16384
USER_VOCAB = 1000000
ITEM_VOCAB = 100000
CONTEXT_VOCAB = 100000
GENDER_VOCAB = 4
AGE_VOCAB = 100
EMBED_DIM = 64
MAX_CONTEXT_LEN = 10
CONCAT_DIM = EMBED_DIM * 4 + EMBED_DIM + 1  # user(4 concat parts) + item + interaction = 321


def setup_inputs(seed: int = 0) -> dict:
    key = jax.random.key(seed)
    ks = jax.random.split(key, 13)
    user_idx = jax.random.randint(ks[0], (B,), 0, USER_VOCAB, dtype=jnp.int32)
    gender = jax.random.randint(ks[1], (B,), 0, GENDER_VOCAB, dtype=jnp.int32)
    age = jax.random.randint(ks[2], (B,), 0, AGE_VOCAB, dtype=jnp.int32)
    context_idx = jax.random.randint(ks[3], (B, MAX_CONTEXT_LEN), 0, CONTEXT_VOCAB, dtype=jnp.int32)
    item_idx = jax.random.randint(ks[4], (B,), 0, ITEM_VOCAB, dtype=jnp.int32)
    user_product_count = jax.random.uniform(ks[5], (B,), dtype=jnp.float32)
    user_table = jax.random.normal(ks[6], (USER_VOCAB, EMBED_DIM), dtype=jnp.float32) * 0.05
    gender_table = jax.random.normal(ks[7], (GENDER_VOCAB, EMBED_DIM), dtype=jnp.float32) * 0.05
    age_table = jax.random.normal(ks[8], (AGE_VOCAB, EMBED_DIM), dtype=jnp.float32) * 0.05
    context_table = jax.random.normal(ks[9], (CONTEXT_VOCAB, EMBED_DIM), dtype=jnp.float32) * 0.05
    item_table = jax.random.normal(ks[10], (ITEM_VOCAB, EMBED_DIM), dtype=jnp.float32) * 0.05
    W_dense = jax.random.normal(ks[11], (CONCAT_DIM, 1), dtype=jnp.float32) * 0.05
    b_dense = jnp.zeros((1,), dtype=jnp.float32)
    return {
        "user_idx": user_idx,
        "gender": gender,
        "age": age,
        "context_idx": context_idx,
        "item_idx": item_idx,
        "user_product_count": user_product_count,
        "user_table": user_table,
        "gender_table": gender_table,
        "age_table": age_table,
        "context_table": context_table,
        "item_table": item_table,
        "W_dense": W_dense,
        "b_dense": b_dense,
    }


def reference(user_idx, gender, age, context_idx, item_idx, user_product_count,
              user_table, gender_table, age_table, context_table, item_table,
              W_dense, b_dense):
    u = jnp.take(user_table, user_idx, axis=0)
    g = jnp.take(gender_table, gender, axis=0)
    a = jnp.take(age_table, age, axis=0)
    context = jnp.mean(jnp.take(context_table, context_idx, axis=0), axis=1) * 5.0
    user_emb = jnp.concatenate([u, g, a, context], axis=-1)
    item_emb = jnp.take(item_table, item_idx, axis=0)
    interaction = user_product_count[:, None]
    concat = jnp.concatenate([user_emb, item_emb, interaction], axis=-1)
    return concat @ W_dense + b_dense

if __name__ == "__main__":
    import jax
    _d = setup_inputs()
    print(jax.jit(kernel)(*tuple(_d.values())))

</pallas_src>

<mosaic_0001>
#map = affine_map<(d0, d1) -> (0)>
module attributes {stable_mosaic.version = 14 : i64} {
  func.func @_sc_a_body(%arg0: i32, %arg1: i32, %arg2: memref<16384xi32, #tpu.memory_space<hbm>>, %arg3: memref<16384xi32, #tpu.memory_space<hbm>>, %arg4: memref<163840xi32, #tpu.memory_space<hbm>>, %arg5: memref<16384xi32, #tpu.memory_space<hbm>>, %arg6: memref<16384xf32, #tpu.memory_space<hbm>>, %arg7: memref<106496xf32, #tpu.memory_space<hbm>>, %arg8: memref<106496xf32, #tpu.memory_space<hbm>>, %arg9: memref<128xf32, #tpu.memory_space<hbm>>, %arg10: memref<128xf32, #tpu.memory_space<hbm>>, %arg11: memref<336xf32, #tpu.memory_space<hbm>>, %arg12: memref<16384xf32, #tpu.memory_space<hbm>>, %arg13: memref<336xf32, #tpu.memory_space<vmem>>, %arg14: memref<128xf32, #tpu.memory_space<vmem>>, %arg15: memref<128xf32, #tpu.memory_space<vmem>>, %arg16: memref<512xi32, #tpu.memory_space<vmem>>, %arg17: memref<512xi32, #tpu.memory_space<vmem>>, %arg18: memref<512xi32, #tpu.memory_space<vmem>>, %arg19: memref<512xf32, #tpu.memory_space<vmem>>, %arg20: memref<5120xi32, #tpu.memory_space<vmem>>, %arg21: memref<5120xf32, #tpu.memory_space<vmem>>, %arg22: memref<512xf32, #tpu.memory_space<vmem>>, %arg23: memref<512xf32, #tpu.memory_space<vmem>>, %arg24: memref<!tpu.dma_semaphore, #tpu.memory_space<semaphore_mem>>) attributes {dimension_semantics = [#tpu.dimension_semantics<core_parallel>, #tpu.dimension_semantics<subcore_parallel>], iteration_bounds = array<i64: 2, 16>, scalar_prefetch = 0 : i64, scratch_operands = 12 : i64, tpu.core_type = #tpu.core_type<sc_vector_subcore>, window_params = [{transform_indices = #map}, {transform_indices = #map}, {transform_indices = #map}, {transform_indices = #map}, {transform_indices = #map}, {transform_indices = #map}, {transform_indices = #map}, {transform_indices = #map}, {transform_indices = #map}, {transform_indices = #map}, {transform_indices = #map}]} {
    %mul3A = arith.constant 2 : i32
    %mul3A_0 = arith.muli %arg1, %mul3A : i32
    %add3A = arith.addi %mul3A_0, %arg0 : i32
    %mul3A_1 = arith.constant 512 : i32
    %mul3A_2 = arith.muli %add3A, %mul3A_1 : i32
    "tpu.region"() ({
      %run_scoped3A = tpu.sem_alloc : memref<!tpu.dma_semaphore, #tpu.memory_space<semaphore_mem>>
      tpu.enqueue_dma source(%arg11 : memref<336xf32, #tpu.memory_space<hbm>>) target(%arg13 : memref<336xf32, #tpu.memory_space<vmem>>) target_semaphore(%run_scoped3A : memref<!tpu.dma_semaphore, #tpu.memory_space<semaphore_mem>>)
      tpu.wait_dma2 semaphore(%run_scoped3A : memref<!tpu.dma_semaphore, #tpu.memory_space<semaphore_mem>>) src(%arg11 : memref<336xf32, #tpu.memory_space<hbm>>) dst(%arg13 : memref<336xf32, #tpu.memory_space<vmem>>)
      tpu.yield
    }) : () -> ()
    "tpu.region"() ({
      %run_scoped3A = tpu.sem_alloc : memref<!tpu.dma_semaphore, #tpu.memory_space<semaphore_mem>>
      tpu.enqueue_dma source(%arg9 : memref<128xf32, #tpu.memory_space<hbm>>) target(%arg14 : memref<128xf32, #tpu.memory_space<vmem>>) target_semaphore(%run_scoped3A : memref<!tpu.dma_semaphore, #tpu.memory_space<semaphore_mem>>)
      tpu.wait_dma2 semaphore(%run_scoped3A : memref<!tpu.dma_semaphore, #tpu.memory_space<semaphore_mem>>) src(%arg9 : memref<128xf32, #tpu.memory_space<hbm>>) dst(%arg14 : memref<128xf32, #tpu.memory_space<vmem>>)
      tpu.yield
    }) : () -> ()
    "tpu.region"() ({
      %run_scoped3A = tpu.sem_alloc : memref<!tpu.dma_semaphore, #tpu.memory_space<semaphore_mem>>
      tpu.enqueue_dma source(%arg10 : memref<128xf32, #tpu.memory_space<hbm>>) target(%arg15 : memref<128xf32, #tpu.memory_space<vmem>>) target_semaphore(%run_scoped3A : memref<!tpu.dma_semaphore, #tpu.memory_space<semaphore_mem>>)
      tpu.wait_dma2 semaphore(%run_scoped3A : memref<!tpu.dma_semaphore, #tpu.memory_space<semaphore_mem>>) src(%arg10 : memref<128xf32, #tpu.memory_space<hbm>>) dst(%arg15 : memref<128xf32, #tpu.memory_space<vmem>>)
      tpu.yield
    }) : () -> ()
    "tpu.region"() ({
      %run_scoped3A = tpu.sem_alloc : memref<!tpu.dma_semaphore, #tpu.memory_space<semaphore_mem>>
      %dma_start3A_558 = tpu.memref_slice %arg2[%mul3A_2] : memref<16384xi32, #tpu.memory_space<hbm>> -> memref<512xi32, #tpu.memory_space<hbm>>
      %dma_start3A_559 = tpu.memref_slice %arg2[%mul3A_2] : memref<16384xi32, #tpu.memory_space<hbm>> -> memref<512xi32, #tpu.memory_space<hbm>>
      tpu.enqueue_dma source(%dma_start3A_559 : memref<512xi32, #tpu.memory_space<hbm>>) target(%arg16 : memref<512xi32, #tpu.memory_space<vmem>>) target_semaphore(%run_scoped3A : memref<!tpu.dma_semaphore, #tpu.memory_space<semaphore_mem>>)
      %dma_wait3A_560 = tpu.memref_slice %arg2[%mul3A_2] : memref<16384xi32, #tpu.memory_space<hbm>> -> memref<512xi32, #tpu.memory_space<hbm>>
      %dma_wait3A_561 = tpu.memref_slice %arg2[%mul3A_2] : memref<16384xi32, #tpu.memory_space<hbm>> -> memref<512xi32, #tpu.memory_space<hbm>>
      tpu.wait_dma2 semaphore(%run_scoped3A : memref<!tpu.dma_semaphore, #tpu.memory_space<semaphore_mem>>) src(%dma_wait3A_561 : memref<512xi32, #tpu.memory_space<hbm>>) dst(%arg16 : memref<512xi32, #tpu.memory_space<vmem>>)
      tpu.yield
    }) : () -> ()
    "tpu.region"() ({
      %run_scoped3A = tpu.sem_alloc : memref<!tpu.dma_semaphore, #tpu.memory_space<semaphore_mem>>
      %dma_start3A_558 = tpu.memref_slice %arg3[%mul3A_2] : memref<16384xi32, #tpu.memory_space<hbm>> -> memref<512xi32, #tpu.memory_space<hbm>>
      %dma_start3A_559 = tpu.memref_slice %arg3[%mul3A_2] : memref<16384xi32, #tpu.memory_space<hbm>> -> memref<512xi32, #tpu.memory_space<hbm>>
      tpu.enqueue_dma source(%dma_start3A_559 : memref<512xi32, #tpu.memory_space<hbm>>) target(%arg17 : memref<512xi32, #tpu.memory_space<vmem>>) target_semaphore(%run_scoped3A : memref<!tpu.dma_semaphore, #tpu.memory_space<semaphore_mem>>)
      %dma_wait3A_560 = tpu.memref_slice %arg3[%mul3A_2] : memref<16384xi32, #tpu.memory_space<hbm>> -> memref<512xi32, #tpu.memory_space<hbm>>
      %dma_wait3A_561 = tpu.memref_slice %arg3[%mul3A_2] : memref<16384xi32, #tpu.memory_space<hbm>> -> memref<512xi32, #tpu.memory_space<hbm>>
      tpu.wait_dma2 semaphore(%run_scoped3A : memref<!tpu.dma_semaphore, #tpu.memory_space<semaphore_mem>>) src(%dma_wait3A_561 : memref<512xi32, #tpu.memory_space<hbm>>) dst(%arg17 : memref<512xi32, #tpu.memory_space<vmem>>)
      tpu.yield
    }) : () -> ()
    "tpu.region"() ({
      %run_scoped3A = tpu.sem_alloc : memref<!tpu.dma_semaphore, #tpu.memory_space<semaphore_mem>>
      %dma_start3A_558 = tpu.memref_slice %arg5[%mul3A_2] : memref<16384xi32, #tpu.memory_space<hbm>> -> memref<512xi32, #tpu.memory_space<hbm>>
      %dma_start3A_559 = tpu.memref_slice %arg5[%mul3A_2] : memref<16384xi32, #tpu.memory_space<hbm>> -> memref<512xi32, #tpu.memory_space<hbm>>
      tpu.enqueue_dma source(%dma_start3A_559 : memref<512xi32, #tpu.memory_space<hbm>>) target(%arg18 : memref<512xi32, #tpu.memory_space<vmem>>) target_semaphore(%run_scoped3A : memref<!tpu.dma_semaphore, #tpu.memory_space<semaphore_mem>>)
      %dma_wait3A_560 = tpu.memref_slice %arg5[%mul3A_2] : memref<16384xi32, #tpu.memory_space<hbm>> -> memref<512xi32, #tpu.memory_space<hbm>>
      %dma_wait3A_561 = tpu.memref_slice %arg5[%mul3A_2] : memref<16384xi32, #tpu.memory_space<hbm>> -> memref<512xi32, #tpu.memory_space<hbm>>
      tpu.wait_dma2 semaphore(%run_scoped3A : memref<!tpu.dma_semaphore, #tpu.memory_space<semaphore_mem>>) src(%dma_wait3A_561 : memref<512xi32, #tpu.memory_space<hbm>>) dst(%arg18 : memref<512xi32, #tpu.memory_space<vmem>>)
      tpu.yield
    }) : () -> ()
    "tpu.region"() ({
      %run_scoped3A = tpu.sem_alloc : memref<!tpu.dma_semaphore, #tpu.memory_space<semaphore_mem>>
      %dma_start3A_558 = tpu.memref_slice %arg6[%mul3A_2] : memref<16384xf32, #tpu.memory_space<hbm>> -> memref<512xf32, #tpu.memory_space<hbm>>
      %dma_start3A_559 = tpu.memref_slice %arg6[%mul3A_2] : memref<16384xf32, #tpu.memory_space<hbm>> -> memref<512xf32, #tpu.memory_space<hbm>>
      tpu.enqueue_dma source(%dma_start3A_559 : memref<512xf32, #tpu.memory_space<hbm>>) target(%arg19 : memref<512xf32, #tpu.memory_space<vmem>>) target_semaphore(%run_scoped3A : memref<!tpu.dma_semaphore, #tpu.memory_space<semaphore_mem>>)
      %dma_wait3A_560 = tpu.memref_slice %arg6[%mul3A_2] : memref<16384xf32, #tpu.memory_space<hbm>> -> memref<512xf32, #tpu.memory_space<hbm>>
      %dma_wait3A_561 = tpu.memref_slice %arg6[%mul3A_2] : memref<16384xf32, #tpu.memory_space<hbm>> -> memref<512xf32, #tpu.memory_space<hbm>>
      tpu.wait_dma2 semaphore(%run_scoped3A : memref<!tpu.dma_semaphore, #tpu.memory_space<semaphore_mem>>) src(%dma_wait3A_561 : memref<512xf32, #tpu.memory_space<hbm>>) dst(%arg19 : memref<512xf32, #tpu.memory_space<vmem>>)
      tpu.yield
    }) : () -> ()
    %add3A_3 = arith.constant 0 : i32
    %add3A_4 = arith.addi %add3A_3, %mul3A_2 : i32
    "tpu.region"() ({
      %run_scoped3A = tpu.sem_alloc : memref<!tpu.dma_semaphore, #tpu.memory_space<semaphore_mem>>
      %dma_start3A_558 = arith.constant 0 : i32
      %dma_start3A_559 = tpu.memref_slice %arg20[%dma_start3A_558] : memref<5120xi32, #tpu.memory_space<vmem>> -> memref<512xi32, #tpu.memory_space<vmem>>
      %dma_start3A_560 = tpu.memref_slice %arg4[%add3A_4] : memref<163840xi32, #tpu.memory_space<hbm>> -> memref<512xi32, #tpu.memory_space<hbm>>
      %dma_start3A_561 = arith.constant 0 : i32
      %dma_start3A_562 = tpu.memref_slice %arg20[%dma_start3A_561] : memref<5120xi32, #tpu.memory_space<vmem>> -> memref<512xi32, #tpu.memory_space<vmem>>
      %dma_start3A_563 = tpu.memref_slice %arg4[%add3A_4] : memref<163840xi32, #tpu.memory_space<hbm>> -> memref<512xi32, #tpu.memory_space<hbm>>
      tpu.enqueue_dma source(%dma_start3A_563 : memref<512xi32, #tpu.memory_space<hbm>>) target(%dma_start3A_562 : memref<512xi32, #tpu.memory_space<vmem>>) target_semaphore(%run_scoped3A : memref<!tpu.dma_semaphore, #tpu.memory_space<semaphore_mem>>)
      %dma_wait3A_564 = arith.constant 0 : i32
      %dma_wait3A_565 = tpu.memref_slice %arg20[%dma_wait3A_564] : memref<5120xi32, #tpu.memory_space<vmem>> -> memref<512xi32, #tpu.memory_space<vmem>>
      %dma_wait3A_566 = tpu.memref_slice %arg4[%add3A_4] : memref<163840xi32, #tpu.memory_space<hbm>> -> memref<512xi32, #tpu.memory_space<hbm>>
      %dma_wait3A_567 = arith.constant 0 : i32
      %dma_wait3A_568 = tpu.memref_slice %arg20[%dma_wait3A_567] : memref<5120xi32, #tpu.memory_space<vmem>> -> memref<512xi32, #tpu.memory_space<vmem>>
      %dma_wait3A_569 = tpu.memref_slice %arg4[%add3A_4] : memref<163840xi32, #tpu.memory_space<hbm>> -> memref<512xi32, #tpu.memory_space<hbm>>
      tpu.wait_dma2 semaphore(%run_scoped3A : memref<!tpu.dma_semaphore, #tpu.memory_space<semaphore_mem>>) src(%dma_wait3A_569 : memref<512xi32, #tpu.memory_space<hbm>>) dst(%dma_wait3A_568 : memref<512xi32, #tpu.memory_space<vmem>>)
      tpu.yield
    }) : () -> ()
    %add3A_5 = arith.constant 16384 : i32
    %add3A_6 = arith.addi %add3A_5, %mul3A_2 : i32
    "tpu.region"() ({
      %run_scoped3A = tpu.sem_alloc : memref<!tpu.dma_semaphore, #tpu.memory_space<semaphore_mem>>
      %dma_start3A_558 = arith.constant 512 : i32
      %dma_start3A_559 = tpu.memref_slice %arg20[%dma_start3A_558] : memref<5120xi32, #tpu.memory_space<vmem>> -> memref<512xi32, #tpu.memory_space<vmem>>
      %dma_start3A_560 = tpu.memref_slice %arg4[%add3A_6] : memref<163840xi32, #tpu.memory_space<hbm>> -> memref<512xi32, #tpu.memory_space<hbm>>
      %dma_start3A_561 = arith.constant 512 : i32
      %dma_start3A_562 = tpu.memref_slice %arg20[%dma_start3A_561] : memref<5120xi32, #tpu.memory_space<vmem>> -> memref<512xi32, #tpu.memory_space<vmem>>
      %dma_start3A_563 = tpu.memref_slice %arg4[%add3A_6] : memref<163840xi32, #tpu.memory_space<hbm>> -> memref<512xi32, #tpu.memory_space<hbm>>
      tpu.enqueue_dma source(%dma_start3A_563 : memref<512xi32, #tpu.memory_space<hbm>>) target(%dma_start3A_562 : memref<512xi32, #tpu.memory_space<vmem>>) target_semaphore(%run_scoped3A : memref<!tpu.dma_semaphore, #tpu.memory_space<semaphore_mem>>)
      %dma_wait3A_564 = arith.constant 512 : i32
      %dma_wait3A_565 = tpu.memref_slice %arg20[%dma_wait3A_564] : memref<5120xi32, #tpu.memory_space<vmem>> -> memref<512xi32, #tpu.memory_space<vmem>>
      %dma_wait3A_566 = tpu.memref_slice %arg4[%add3A_6] : memref<163840xi32, #tpu.memory_space<hbm>> -> memref<512xi32, #tpu.memory_space<hbm>>
      %dma_wait3A_567 = arith.constant 512 : i32
      %dma_wait3A_568 = tpu.memref_slice %arg20[%dma_wait3A_567] : memref<5120xi32, #tpu.memory_space<vmem>> -> memref<512xi32, #tpu.memory_space<vmem>>
      %dma_wait3A_569 = tpu.memref_slice %arg4[%add3A_6] : memref<163840xi32, #tpu.memory_space<hbm>> -> memref<512xi32, #tpu.memory_space<hbm>>
      tpu.wait_dma2 semaphore(%run_scoped3A : memref<!tpu.dma_semaphore, #tpu.memory_space<semaphore_mem>>) src(%dma_wait3A_569 : memref<512xi32, #tpu.memory_space<hbm>>) dst(%dma_wait3A_568 : memref<512xi32, #tpu.memory_space<vmem>>)
      tpu.yield
    }) : () -> ()
    %add3A_7 = arith.constant 32768 : i32
    %add3A_8 = arith.addi %add3A_7, %mul3A_2 : i32
    "tpu.region"() ({
      %run_scoped3A = tpu.sem_alloc : memref<!tpu.dma_semaphore, #tpu.memory_space<semaphore_mem>>
      %dma_start3A_558 = arith.constant 1024 : i32
      %dma_start3A_559 = tpu.memref_slice %arg20[%dma_start3A_558] : memref<5120xi32, #tpu.memory_space<vmem>> -> memref<512xi32, #tpu.memory_space<vmem>>
      %dma_start3A_560 = tpu.memref_slice %arg4[%add3A_8] : memref<163840xi32, #tpu.memory_space<hbm>> -> memref<512xi32, #tpu.memory_space<hbm>>
      %dma_start3A_561 = arith.constant 1024 : i32
      %dma_start3A_562 = tpu.memref_slice %arg20[%dma_start3A_561] : memref<5120xi32, #tpu.memory_space<vmem>> -> memref<512xi32, #tpu.memory_space<vmem>>
      %dma_start3A_563 = tpu.memref_slice %arg4[%add3A_8] : memref<163840xi32, #tpu.memory_space<hbm>> -> memref<512xi32, #tpu.memory_space<hbm>>
      tpu.enqueue_dma source(%dma_start3A_563 : memref<512xi32, #tpu.memory_space<hbm>>) target(%dma_start3A_562 : memref<512xi32, #tpu.memory_space<vmem>>) target_semaphore(%run_scoped3A : memref<!tpu.dma_semaphore, #tpu.memory_space<semaphore_mem>>)
      %dma_wait3A_564 = arith.constant 1024 : i32
      %dma_wait3A_565 = tpu.memref_slice %arg20[%dma_wait3A_564] : memref<5120xi32, #tpu.memory_space<vmem>> -> memref<512xi32, #tpu.memory_space<vmem>>
      %dma_wait3A_566 = tpu.memref_slice %arg4[%add3A_8] : memref<163840xi32, #tpu.memory_space<hbm>> -> memref<512xi32, #tpu.memory_space<hbm>>
      %dma_wait3A_567 = arith.constant 1024 : i32
      %dma_wait3A_568 = tpu.memref_slice %arg20[%dma_wait3A_567] : memref<5120xi32, #tpu.memory_space<vmem>> -> memref<512xi32, #tpu.memory_space<vmem>>
      %dma_wait3A_569 = tpu.memref_slice %arg4[%add3A_8] : memref<163840xi32, #tpu.memory_space<hbm>> -> memref<512xi32, #tpu.memory_space<hbm>>
      tpu.wait_dma2 semaphore(%run_scoped3A : memref<!tpu.dma_semaphore, #tpu.memory_space<semaphore_mem>>) src(%dma_wait3A_569 : memref<512xi32, #tpu.memory_space<hbm>>) dst(%dma_wait3A_568 : memref<512xi32, #tpu.memory_space<vmem>>)
      tpu.yield
    }) : () -> ()
    %add3A_9 = arith.constant 49152 : i32
    %add3A_10 = arith.addi %add3A_9, %mul3A_2 : i32
    "tpu.region"() ({
      %run_scoped3A = tpu.sem_alloc : memref<!tpu.dma_semaphore, #tpu.memory_space<semaphore_mem>>
      %dma_start3A_558 = arith.constant 1536 : i32
      %dma_start3A_559 = tpu.memref_slice %arg20[%dma_start3A_558] : memref<5120xi32, #tpu.memory_space<vmem>> -> memref<512xi32, #tpu.memory_space<vmem>>
      %dma_start3A_560 = tpu.memref_slice %arg4[%add3A_10] : memref<163840xi32, #tpu.memory_space<hbm>> -> memref<512xi32, #tpu.memory_space<hbm>>
      %dma_start3A_561 = arith.constant 1536 : i32
      %dma_start3A_562 = tpu.memref_slice %arg20[%dma_start3A_561] : memref<5120xi32, #tpu.memory_space<vmem>> -> memref<512xi32, #tpu.memory_space<vmem>>
      %dma_start3A_563 = tpu.memref_slice %arg4[%add3A_10] : memref<163840xi32, #tpu.memory_space<hbm>> -> memref<512xi32, #tpu.memory_space<hbm>>
      tpu.enqueue_dma source(%dma_start3A_563 : memref<512xi32, #tpu.memory_space<hbm>>) target(%dma_start3A_562 : memref<512xi32, #tpu.memory_space<vmem>>) target_semaphore(%run_scoped3A : memref<!tpu.dma_semaphore, #tpu.memory_space<semaphore_mem>>)
      %dma_wait3A_564 = arith.constant 1536 : i32
      %dma_wait3A_565 = tpu.memref_slice %arg20[%dma_wait3A_564] : memref<5120xi32, #tpu.memory_space<vmem>> -> memref<512xi32, #tpu.memory_space<vmem>>
      %dma_wait3A_566 = tpu.memref_slice %arg4[%add3A_10] : memref<163840xi32, #tpu.memory_space<hbm>> -> memref<512xi32, #tpu.memory_space<hbm>>
      %dma_wait3A_567 = arith.constant 1536 : i32
      %dma_wait3A_568 = tpu.memref_slice %arg20[%dma_wait3A_567] : memref<5120xi32, #tpu.memory_space<vmem>> -> memref<512xi32, #tpu.memory_space<vmem>>
      %dma_wait3A_569 = tpu.memref_slice %arg4[%add3A_10] : memref<163840xi32, #tpu.memory_space<hbm>> -> memref<512xi32, #tpu.memory_space<hbm>>
      tpu.wait_dma2 semaphore(%run_scoped3A : memref<!tpu.dma_semaphore, #tpu.memory_space<semaphore_mem>>) src(%dma_wait3A_569 : memref<512xi32, #tpu.memory_space<hbm>>) dst(%dma_wait3A_568 : memref<512xi32, #tpu.memory_space<vmem>>)
      tpu.yield
    }) : () -> ()
    %add3A_11 = arith.constant 65536 : i32
    %add3A_12 = arith.addi %add3A_11, %mul3A_2 : i32
    "tpu.region"() ({
      %run_scoped3A = tpu.sem_alloc : memref<!tpu.dma_semaphore, #tpu.memory_space<semaphore_mem>>
      %dma_start3A_558 = arith.constant 2048 : i32
      %dma_start3A_559 = tpu.memref_slice %arg20[%dma_start3A_558] : memref<5120xi32, #tpu.memory_space<vmem>> -> memref<512xi32, #tpu.memory_space<vmem>>
      %dma_start3A_560 = tpu.memref_slice %arg4[%add3A_12] : memref<163840xi32, #tpu.memory_space<hbm>> -> memref<512xi32, #tpu.memory_space<hbm>>
      %dma_start3A_561 = arith.constant 2048 : i32
      %dma_start3A_562 = tpu.memref_slice %arg20[%dma_start3A_561] : memref<5120xi32, #tpu.memory_space<vmem>> -> memref<512xi32, #tpu.memory_space<vmem>>
      %dma_start3A_563 = tpu.memref_slice %arg4[%add3A_12] : memref<163840xi32, #tpu.memory_space<hbm>> -> memref<512xi32, #tpu.memory_space<hbm>>
      tpu.enqueue_dma source(%dma_start3A_563 : memref<512xi32, #tpu.memory_space<hbm>>) target(%dma_start3A_562 : memref<512xi32, #tpu.memory_space<vmem>>) target_semaphore(%run_scoped3A : memref<!tpu.dma_semaphore, #tpu.memory_space<semaphore_mem>>)
      %dma_wait3A_564 = arith.constant 2048 : i32
      %dma_wait3A_565 = tpu.memref_slice %arg20[%dma_wait3A_564] : memref<5120xi32, #tpu.memory_space<vmem>> -> memref<512xi32, #tpu.memory_space<vmem>>
      %dma_wait3A_566 = tpu.memref_slice %arg4[%add3A_12] : memref<163840xi32, #tpu.memory_space<hbm>> -> memref<512xi32, #tpu.memory_space<hbm>>
      %dma_wait3A_567 = arith.constant 2048 : i32
      %dma_wait3A_568 = tpu.memref_slice %arg20[%dma_wait3A_567] : memref<5120xi32, #tpu.memory_space<vmem>> -> memref<512xi32, #tpu.memory_space<vmem>>
      %dma_wait3A_569 = tpu.memref_slice %arg4[%add3A_12] : memref<163840xi32, #tpu.memory_space<hbm>> -> memref<512xi32, #tpu.memory_space<hbm>>
      tpu.wait_dma2 semaphore(%run_scoped3A : memref<!tpu.dma_semaphore, #tpu.memory_space<semaphore_mem>>) src(%dma_wait3A_569 : memref<512xi32, #tpu.memory_space<hbm>>) dst(%dma_wait3A_568 : memref<512xi32, #tpu.memory_space<vmem>>)
      tpu.yield
    }) : () -> ()
    %add3A_13 = arith.constant 81920 : i32
    %add3A_14 = arith.addi %add3A_13, %mul3A_2 : i32
    "tpu.region"() ({
      %run_scoped3A = tpu.sem_alloc : memref<!tpu.dma_semaphore, #tpu.memory_space<semaphore_mem>>
      %dma_start3A_558 = arith.constant 2560 : i32
      %dma_start3A_559 = tpu.memref_slice %arg20[%dma_start3A_558] : memref<5120xi32, #tpu.memory_space<vmem>> -> memref<512xi32, #tpu.memory_space<vmem>>
      %dma_start3A_560 = tpu.memref_slice %arg4[%add3A_14] : memref<163840xi32, #tpu.memory_space<hbm>> -> memref<512xi32, #tpu.memory_space<hbm>>
      %dma_start3A_561 = arith.constant 2560 : i32
      %dma_start3A_562 = tpu.memref_slice %arg20[%dma_start3A_561] : memref<5120xi32, #tpu.memory_space<vmem>> -> memref<512xi32, #tpu.memory_space<vmem>>
      %dma_start3A_563 = tpu.memref_slice %arg4[%add3A_14] : memref<163840xi32, #tpu.memory_space<hbm>> -> memref<512xi32, #tpu.memory_space<hbm>>
      tpu.enqueue_dma source(%dma_start3A_563 : memref<512xi32, #tpu.memory_space<hbm>>) target(%dma_start3A_562 : memref<512xi32, #tpu.memory_space<vmem>>) target_semaphore(%run_scoped3A : memref<!tpu.dma_semaphore, #tpu.memory_space<semaphore_mem>>)
      %dma_wait3A_564 = arith.constant 2560 : i32
      %dma_wait3A_565 = tpu.memref_slice %arg20[%dma_wait3A_564] : memref<5120xi32, #tpu.memory_space<vmem>> -> memref<512xi32, #tpu.memory_space<vmem>>
      %dma_wait3A_566 = tpu.memref_slice %arg4[%add3A_14] : memref<163840xi32, #tpu.memory_space<hbm>> -> memref<512xi32, #tpu.memory_space<hbm>>
      %dma_wait3A_567 = arith.constant 2560 : i32
      %dma_wait3A_568 = tpu.memref_slice %arg20[%dma_wait3A_567] : memref<5120xi32, #tpu.memory_space<vmem>> -> memref<512xi32, #tpu.memory_space<vmem>>
      %dma_wait3A_569 = tpu.memref_slice %arg4[%add3A_14] : memref<163840xi32, #tpu.memory_space<hbm>> -> memref<512xi32, #tpu.memory_space<hbm>>
      tpu.wait_dma2 semaphore(%run_scoped3A : memref<!tpu.dma_semaphore, #tpu.memory_space<semaphore_mem>>) src(%dma_wait3A_569 : memref<512xi32, #tpu.memory_space<hbm>>) dst(%dma_wait3A_568 : memref<512xi32, #tpu.memory_space<vmem>>)
      tpu.yield
    }) : () -> ()
    %add3A_15 = arith.constant 98304 : i32
    %add3A_16 = arith.addi %add3A_15, %mul3A_2 : i32
    "tpu.region"() ({
      %run_scoped3A = tpu.sem_alloc : memref<!tpu.dma_semaphore, #tpu.memory_space<semaphore_mem>>
      %dma_start3A_558 = arith.constant 3072 : i32
      %dma_start3A_559 = tpu.memref_slice %arg20[%dma_start3A_558] : memref<5120xi32, #tpu.memory_space<vmem>> -> memref<512xi32, #tpu.memory_space<vmem>>
      %dma_start3A_560 = tpu.memref_slice %arg4[%add3A_16] : memref<163840xi32, #tpu.memory_space<hbm>> -> memref<512xi32, #tpu.memory_space<hbm>>
      %dma_start3A_561 = arith.constant 3072 : i32
      %dma_start3A_562 = tpu.memref_slice %arg20[%dma_start3A_561] : memref<5120xi32, #tpu.memory_space<vmem>> -> memref<512xi32, #tpu.memory_space<vmem>>
      %dma_start3A_563 = tpu.memref_slice %arg4[%add3A_16] : memref<163840xi32, #tpu.memory_space<hbm>> -> memref<512xi32, #tpu.memory_space<hbm>>
      tpu.enqueue_dma source(%dma_start3A_563 : memref<512xi32, #tpu.memory_space<hbm>>) target(%dma_start3A_562 : memref<512xi32, #tpu.memory_space<vmem>>) target_semaphore(%run_scoped3A : memref<!tpu.dma_semaphore, #tpu.memory_space<semaphore_mem>>)
      %dma_wait3A_564 = arith.constant 3072 : i32
      %dma_wait3A_565 = tpu.memref_slice %arg20[%dma_wait3A_564] : memref<5120xi32, #tpu.memory_space<vmem>> -> memref<512xi32, #tpu.memory_space<vmem>>
      %dma_wait3A_566 = tpu.memref_slice %arg4[%add3A_16] : memref<163840xi32, #tpu.memory_space<hbm>> -> memref<512xi32, #tpu.memory_space<hbm>>
      %dma_wait3A_567 = arith.constant 3072 : i32
      %dma_wait3A_568 = tpu.memref_slice %arg20[%dma_wait3A_567] : memref<5120xi32, #tpu.memory_space<vmem>> -> memref<512xi32, #tpu.memory_space<vmem>>
      %dma_wait3A_569 = tpu.memref_slice %arg4[%add3A_16] : memref<163840xi32, #tpu.memory_space<hbm>> -> memref<512xi32, #tpu.memory_space<hbm>>
      tpu.wait_dma2 semaphore(%run_scoped3A : memref<!tpu.dma_semaphore, #tpu.memory_space<semaphore_mem>>) src(%dma_wait3A_569 : memref<512xi32, #tpu.memory_space<hbm>>) dst(%dma_wait3A_568 : memref<512xi32, #tpu.memory_space<vmem>>)
      tpu.yield
    }) : () -> ()
    %add3A_17 = arith.constant 114688 : i32
    %add3A_18 = arith.addi %add3A_17, %mul3A_2 : i32
    "tpu.region"() ({
      %run_scoped3A = tpu.sem_alloc : memref<!tpu.dma_semaphore, #tpu.memory_space<semaphore_mem>>
      %dma_start3A_558 = arith.constant 3584 : i32
      %dma_start3A_559 = tpu.memref_slice %arg20[%dma_start3A_558] : memref<5120xi32, #tpu.memory_space<vmem>> -> memref<512xi32, #tpu.memory_space<vmem>>
      %dma_start3A_560 = tpu.memref_slice %arg4[%add3A_18] : memref<163840xi32, #tpu.memory_space<hbm>> -> memref<512xi32, #tpu.memory_space<hbm>>
      %dma_start3A_561 = arith.constant 3584 : i32
      %dma_start3A_562 = tpu.memref_slice %arg20[%dma_start3A_561] : memref<5120xi32, #tpu.memory_space<vmem>> -> memref<512xi32, #tpu.memory_space<vmem>>
      %dma_start3A_563 = tpu.memref_slice %arg4[%add3A_18] : memref<163840xi32, #tpu.memory_space<hbm>> -> memref<512xi32, #tpu.memory_space<hbm>>
      tpu.enqueue_dma source(%dma_start3A_563 : memref<512xi32, #tpu.memory_space<hbm>>) target(%dma_start3A_562 : memref<512xi32, #tpu.memory_space<vmem>>) target_semaphore(%run_scoped3A : memref<!tpu.dma_semaphore, #tpu.memory_space<semaphore_mem>>)
      %dma_wait3A_564 = arith.constant 3584 : i32
      %dma_wait3A_565 = tpu.memref_slice %arg20[%dma_wait3A_564] : memref<5120xi32, #tpu.memory_space<vmem>> -> memref<512xi32, #tpu.memory_space<vmem>>
      %dma_wait3A_566 = tpu.memref_slice %arg4[%add3A_18] : memref<163840xi32, #tpu.memory_space<hbm>> -> memref<512xi32, #tpu.memory_space<hbm>>
      %dma_wait3A_567 = arith.constant 3584 : i32
      %dma_wait3A_568 = tpu.memref_slice %arg20[%dma_wait3A_567] : memref<5120xi32, #tpu.memory_space<vmem>> -> memref<512xi32, #tpu.memory_space<vmem>>
      %dma_wait3A_569 = tpu.memref_slice %arg4[%add3A_18] : memref<163840xi32, #tpu.memory_space<hbm>> -> memref<512xi32, #tpu.memory_space<hbm>>
      tpu.wait_dma2 semaphore(%run_scoped3A : memref<!tpu.dma_semaphore, #tpu.memory_space<semaphore_mem>>) src(%dma_wait3A_569 : memref<512xi32, #tpu.memory_space<hbm>>) dst(%dma_wait3A_568 : memref<512xi32, #tpu.memory_space<vmem>>)
      tpu.yield
    }) : () -> ()
    %add3A_19 = arith.constant 131072 : i32
    %add3A_20 = arith.addi %add3A_19, %mul3A_2 : i32
    "tpu.region"() ({
      %run_scoped3A = tpu.sem_alloc : memref<!tpu.dma_semaphore, #tpu.memory_space<semaphore_mem>>
      %dma_start3A_558 = arith.constant 4096 : i32
      %dma_start3A_559 = tpu.memref_slice %arg20[%dma_start3A_558] : memref<5120xi32, #tpu.memory_space<vmem>> -> memref<512xi32, #tpu.memory_space<vmem>>
      %dma_start3A_560 = tpu.memref_slice %arg4[%add3A_20] : memref<163840xi32, #tpu.memory_space<hbm>> -> memref<512xi32, #tpu.memory_space<hbm>>
      %dma_start3A_561 = arith.constant 4096 : i32
      %dma_start3A_562 = tpu.memref_slice %arg20[%dma_start3A_561] : memref<5120xi32, #tpu.memory_space<vmem>> -> memref<512xi32, #tpu.memory_space<vmem>>
      %dma_start3A_563 = tpu.memref_slice %arg4[%add3A_20] : memref<163840xi32, #tpu.memory_space<hbm>> -> memref<512xi32, #tpu.memory_space<hbm>>
      tpu.enqueue_dma source(%dma_start3A_563 : memref<512xi32, #tpu.memory_space<hbm>>) target(%dma_start3A_562 : memref<512xi32, #tpu.memory_space<vmem>>) target_semaphore(%run_scoped3A : memref<!tpu.dma_semaphore, #tpu.memory_space<semaphore_mem>>)
      %dma_wait3A_564 = arith.constant 4096 : i32
      %dma_wait3A_565 = tpu.memref_slice %arg20[%dma_wait3A_564] : memref<5120xi32, #tpu.memory_space<vmem>> -> memref<512xi32, #tpu.memory_space<vmem>>
      %dma_wait3A_566 = tpu.memref_slice %arg4[%add3A_20] : memref<163840xi32, #tpu.memory_space<hbm>> -> memref<512xi32, #tpu.memory_space<hbm>>
      %dma_wait3A_567 = arith.constant 4096 : i32
      %dma_wait3A_568 = tpu.memref_slice %arg20[%dma_wait3A_567] : memref<5120xi32, #tpu.memory_space<vmem>> -> memref<512xi32, #tpu.memory_space<vmem>>
      %dma_wait3A_569 = tpu.memref_slice %arg4[%add3A_20] : memref<163840xi32, #tpu.memory_space<hbm>> -> memref<512xi32, #tpu.memory_space<hbm>>
      tpu.wait_dma2 semaphore(%run_scoped3A : memref<!tpu.dma_semaphore, #tpu.memory_space<semaphore_mem>>) src(%dma_wait3A_569 : memref<512xi32, #tpu.memory_space<hbm>>) dst(%dma_wait3A_568 : memref<512xi32, #tpu.memory_space<vmem>>)
      tpu.yield
    }) : () -> ()
    %add3A_21 = arith.constant 147456 : i32
    %add3A_22 = arith.addi %add3A_21, %mul3A_2 : i32
    "tpu.region"() ({
      %run_scoped3A = tpu.sem_alloc : memref<!tpu.dma_semaphore, #tpu.memory_space<semaphore_mem>>
      %dma_start3A_558 = arith.constant 4608 : i32
      %dma_start3A_559 = tpu.memref_slice %arg20[%dma_start3A_558] : memref<5120xi32, #tpu.memory_space<vmem>> -> memref<512xi32, #tpu.memory_space<vmem>>
      %dma_start3A_560 = tpu.memref_slice %arg4[%add3A_22] : memref<163840xi32, #tpu.memory_space<hbm>> -> memref<512xi32, #tpu.memory_space<hbm>>
      %dma_start3A_561 = arith.constant 4608 : i32
      %dma_start3A_562 = tpu.memref_slice %arg20[%dma_start3A_561] : memref<5120xi32, #tpu.memory_space<vmem>> -> memref<512xi32, #tpu.memory_space<vmem>>
      %dma_start3A_563 = tpu.memref_slice %arg4[%add3A_22] : memref<163840xi32, #tpu.memory_space<hbm>> -> memref<512xi32, #tpu.memory_space<hbm>>
      tpu.enqueue_dma source(%dma_start3A_563 : memref<512xi32, #tpu.memory_space<hbm>>) target(%dma_start3A_562 : memref<512xi32, #tpu.memory_space<vmem>>) target_semaphore(%run_scoped3A : memref<!tpu.dma_semaphore, #tpu.memory_space<semaphore_mem>>)
      %dma_wait3A_564 = arith.constant 4608 : i32
      %dma_wait3A_565 = tpu.memref_slice %arg20[%dma_wait3A_564] : memref<5120xi32, #tpu.memory_space<vmem>> -> memref<512xi32, #tpu.memory_space<vmem>>
      %dma_wait3A_566 = tpu.memref_slice %arg4[%add3A_22] : memref<163840xi32, #tpu.memory_space<hbm>> -> memref<512xi32, #tpu.memory_space<hbm>>
      %dma_wait3A_567 = arith.constant 4608 : i32
      %dma_wait3A_568 = tpu.memref_slice %arg20[%dma_wait3A_567] : memref<5120xi32, #tpu.memory_space<vmem>> -> memref<512xi32, #tpu.memory_space<vmem>>
      %dma_wait3A_569 = tpu.memref_slice %arg4[%add3A_22] : memref<163840xi32, #tpu.memory_space<hbm>> -> memref<512xi32, #tpu.memory_space<hbm>>
      tpu.wait_dma2 semaphore(%run_scoped3A : memref<!tpu.dma_semaphore, #tpu.memory_space<semaphore_mem>>) src(%dma_wait3A_569 : memref<512xi32, #tpu.memory_space<hbm>>) dst(%dma_wait3A_568 : memref<512xi32, #tpu.memory_space<vmem>>)
      tpu.yield
    }) : () -> ()
    %dma_start3A = arith.constant 0 : i32
    %dma_start3A_23 = tpu.memref_slice %arg22[%dma_start3A] : memref<512xf32, #tpu.memory_space<vmem>> -> memref<128xf32, #tpu.memory_space<vmem>>
    %dma_start3A_24 = arith.constant 0 : i32
    %dma_start3A_25 = tpu.memref_slice %arg18[%dma_start3A_24] : memref<512xi32, #tpu.memory_space<vmem>> -> memref<128xi32, #tpu.memory_space<vmem>>
    %dma_start3A_26 = arith.constant 0 : i32
    %dma_start3A_27 = tpu.memref_slice %arg8[%dma_start3A_26] : memref<106496xf32, #tpu.memory_space<hbm>> -> memref<106496xf32, #tpu.memory_space<hbm>>
    tpu.enqueue_indirect_dma source(%dma_start3A_27 : memref<106496xf32, #tpu.memory_space<hbm>>) target(%dma_start3A_23 : memref<128xf32, #tpu.memory_space<vmem>>) offsets(%dma_start3A_25 : memref<128xi32, #tpu.memory_space<vmem>>) semaphore(%arg24 : memref<!tpu.dma_semaphore, #tpu.memory_space<semaphore_mem>>)
    %dma_start3A_28 = arith.constant 128 : i32
    %dma_start3A_29 = tpu.memref_slice %arg22[%dma_start3A_28] : memref<512xf32, #tpu.memory_space<vmem>> -> memref<128xf32, #tpu.memory_space<vmem>>
    %dma_start3A_30 = arith.constant 128 : i32
    %dma_start3A_31 = tpu.memref_slice %arg18[%dma_start3A_30] : memref<512xi32, #tpu.memory_space<vmem>> -> memref<128xi32, #tpu.memory_space<vmem>>
    %dma_start3A_32 = arith.constant 0 : i32
    %dma_start3A_33 = tpu.memref_slice %arg8[%dma_start3A_32] : memref<106496xf32, #tpu.memory_space<hbm>> -> memref<106496xf32, #tpu.memory_space<hbm>>
    tpu.enqueue_indirect_dma source(%dma_start3A_33 : memref<106496xf32, #tpu.memory_space<hbm>>) target(%dma_start3A_29 : memref<128xf32, #tpu.memory_space<vmem>>) offsets(%dma_start3A_31 : memref<128xi32, #tpu.memory_space<vmem>>) semaphore(%arg24 : memref<!tpu.dma_semaphore, #tpu.memory_space<semaphore_mem>>)
    %dma_start3A_34 = arith.constant 256 : i32
    %dma_start3A_35 = tpu.memref_slice %arg22[%dma_start3A_34] : memref<512xf32, #tpu.memory_space<vmem>> -> memref<128xf32, #tpu.memory_space<vmem>>
    %dma_start3A_36 = arith.constant 256 : i32
    %dma_start3A_37 = tpu.memref_slice %arg18[%dma_start3A_36] : memref<512xi32, #tpu.memory_space<vmem>> -> memref<128xi32, #tpu.memory_space<vmem>>
    %dma_start3A_38 = arith.constant 0 : i32
    %dma_start3A_39 = tpu.memref_slice %arg8[%dma_start3A_38] : memref<106496xf32, #tpu.memory_space<hbm>> -> memref<106496xf32, #tpu.memory_space<hbm>>
    tpu.enqueue_indirect_dma source(%dma_start3A_39 : memref<106496xf32, #tpu.memory_space<hbm>>) target(%dma_start3A_35 : memref<128xf32, #tpu.memory_space<vmem>>) offsets(%dma_start3A_37 : memref<128xi32, #tpu.memory_space<vmem>>) semaphore(%arg24 : memref<!tpu.dma_semaphore, #tpu.memory_space<semaphore_mem>>)
    %dma_start3A_40 = arith.constant 384 : i32
    %dma_start3A_41 = tpu.memref_slice %arg22[%dma_start3A_40] : memref<512xf32, #tpu.memory_space<vmem>> -> memref<128xf32, #tpu.memory_space<vmem>>
    %dma_start3A_42 = arith.constant 384 : i32
    %dma_start3A_43 = tpu.memref_slice %arg18[%dma_start3A_42] : memref<512xi32, #tpu.memory_space<vmem>> -> memref<128xi32, #tpu.memory_space<vmem>>
    %dma_start3A_44 = arith.constant 0 : i32
    %dma_start3A_45 = tpu.memref_slice %arg8[%dma_start3A_44] : memref<106496xf32, #tpu.memory_space<hbm>> -> memref<106496xf32, #tpu.memory_space<hbm>>
    tpu.enqueue_indirect_dma source(%dma_start3A_45 : memref<106496xf32, #tpu.memory_space<hbm>>) target(%dma_start3A_41 : memref<128xf32, #tpu.memory_space<vmem>>) offsets(%dma_start3A_43 : memref<128xi32, #tpu.memory_space<vmem>>) semaphore(%arg24 : memref<!tpu.dma_semaphore, #tpu.memory_space<semaphore_mem>>)
    %dma_start3A_46 = arith.constant 0 : i32
    %dma_start3A_47 = tpu.memref_slice %arg21[%dma_start3A_46] : memref<5120xf32, #tpu.memory_space<vmem>> -> memref<128xf32, #tpu.memory_space<vmem>>
    %dma_start3A_48 = arith.constant 0 : i32
    %dma_start3A_49 = tpu.memref_slice %arg20[%dma_start3A_48] : memref<5120xi32, #tpu.memory_space<vmem>> -> memref<128xi32, #tpu.memory_space<vmem>>
    %dma_start3A_50 = arith.constant 0 : i32
    %dma_start3A_51 = tpu.memref_slice %arg7[%dma_start3A_50] : memref<106496xf32, #tpu.memory_space<hbm>> -> memref<106496xf32, #tpu.memory_space<hbm>>
    tpu.enqueue_indirect_dma source(%dma_start3A_51 : memref<106496xf32, #tpu.memory_space<hbm>>) target(%dma_start3A_47 : memref<128xf32, #tpu.memory_space<vmem>>) offsets(%dma_start3A_49 : memref<128xi32, #tpu.memory_space<vmem>>) semaphore(%arg24 : memref<!tpu.dma_semaphore, #tpu.memory_space<semaphore_mem>>)
    %dma_start3A_52 = arith.constant 128 : i32
    %dma_start3A_53 = tpu.memref_slice %arg21[%dma_start3A_52] : memref<5120xf32, #tpu.memory_space<vmem>> -> memref<128xf32, #tpu.memory_space<vmem>>
    %dma_start3A_54 = arith.constant 128 : i32
    %dma_start3A_55 = tpu.memref_slice %arg20[%dma_start3A_54] : memref<5120xi32, #tpu.memory_space<vmem>> -> memref<128xi32, #tpu.memory_space<vmem>>
    %dma_start3A_56 = arith.constant 0 : i32
    %dma_start3A_57 = tpu.memref_slice %arg7[%dma_start3A_56] : memref<106496xf32, #tpu.memory_space<hbm>> -> memref<106496xf32, #tpu.memory_space<hbm>>
    tpu.enqueue_indirect_dma source(%dma_start3A_57 : memref<106496xf32, #tpu.memory_space<hbm>>) target(%dma_start3A_53 : memref<128xf32, #tpu.memory_space<vmem>>) offsets(%dma_start3A_55 : memref<128xi32, #tpu.memory_space<vmem>>) semaphore(%arg24 : memref<!tpu.dma_semaphore, #tpu.memory_space<semaphore_mem>>)
    %dma_start3A_58 = arith.constant 256 : i32
    %dma_start3A_59 = tpu.memref_slice %arg21[%dma_start3A_58] : memref<5120xf32, #tpu.memory_space<vmem>> -> memref<128xf32, #tpu.memory_space<vmem>>
    %dma_start3A_60 = arith.constant 256 : i32
    %dma_start3A_61 = tpu.memref_slice %arg20[%dma_start3A_60] : memref<5120xi32, #tpu.memory_space<vmem>> -> memref<128xi32, #tpu.memory_space<vmem>>
    %dma_start3A_62 = arith.constant 0 : i32
    %dma_start3A_63 = tpu.memref_slice %arg7[%dma_start3A_62] : memref<106496xf32, #tpu.memory_space<hbm>> -> memref<106496xf32, #tpu.memory_space<hbm>>
    tpu.enqueue_indirect_dma source(%dma_start3A_63 : memref<106496xf32, #tpu.memory_space<hbm>>) target(%dma_start3A_59 : memref<128xf32, #tpu.memory_space<vmem>>) offsets(%dma_start3A_61 : memref<128xi32, #tpu.memory_space<vmem>>) semaphore(%arg24 : memref<!tpu.dma_semaphore, #tpu.memory_space<semaphore_mem>>)
    %dma_start3A_64 = arith.constant 384 : i32
    %dma_start3A_65 = tpu.memref_slice %arg21[%dma_start3A_64] : memref<5120xf32, #tpu.memory_space<vmem>> -> memref<128xf32, #tpu.memory_space<vmem>>
    %dma_start3A_66 = arith.constant 384 : i32
    %dma_start3A_67 = tpu.memref_slice %arg20[%dma_start3A_66] : memref<5120xi32, #tpu.memory_space<vmem>> -> memref<128xi32, #tpu.memory_space<vmem>>
    %dma_start3A_68 = arith.constant 0 : i32
    %dma_start3A_69 = tpu.memref_slice %arg7[%dma_start3A_68] : memref<106496xf32, #tpu.memory_space<hbm>> -> memref<106496xf32, #tpu.memory_space<hbm>>
    tpu.enqueue_indirect_dma source(%dma_start3A_69 : memref<106496xf32, #tpu.memory_space<hbm>>) target(%dma_start3A_65 : memref<128xf32, #tpu.memory_space<vmem>>) offsets(%dma_start3A_67 : memref<128xi32, #tpu.memory_space<vmem>>) semaphore(%arg24 : memref<!tpu.dma_semaphore, #tpu.memory_space<semaphore_mem>>)
    %dma_start3A_70 = arith.constant 512 : i32
    %dma_start3A_71 = tpu.memref_slice %arg21[%dma_start3A_70] : memref<5120xf32, #tpu.memory_space<vmem>> -> memref<128xf32, #tpu.memory_space<vmem>>
    %dma_start3A_72 = arith.constant 512 : i32
    %dma_start3A_73 = tpu.memref_slice %arg20[%dma_start3A_72] : memref<5120xi32, #tpu.memory_space<vmem>> -> memref<128xi32, #tpu.memory_space<vmem>>
    %dma_start3A_74 = arith.constant 0 : i32
    %dma_start3A_75 = tpu.memref_slice %arg7[%dma_start3A_74] : memref<106496xf32, #tpu.memory_space<hbm>> -> memref<106496xf32, #tpu.memory_space<hbm>>
    tpu.enqueue_indirect_dma source(%dma_start3A_75 : memref<106496xf32, #tpu.memory_space<hbm>>) target(%dma_start3A_71 : memref<128xf32, #tpu.memory_space<vmem>>) offsets(%dma_start3A_73 : memref<128xi32, #tpu.memory_space<vmem>>) semaphore(%arg24 : memref<!tpu.dma_semaphore, #tpu.memory_space<semaphore_mem>>)
    %dma_start3A_76 = arith.constant 640 : i32
    %dma_start3A_77 = tpu.memref_slice %arg21[%dma_start3A_76] : memref<5120xf32, #tpu.memory_space<vmem>> -> memref<128xf32, #tpu.memory_space<vmem>>
    %dma_start3A_78 = arith.constant 640 : i32
    %dma_start3A_79 = tpu.memref_slice %arg20[%dma_start3A_78] : memref<5120xi32, #tpu.memory_space<vmem>> -> memref<128xi32, #tpu.memory_space<vmem>>
    %dma_start3A_80 = arith.constant 0 : i32
    %dma_start3A_81 = tpu.memref_slice %arg7[%dma_start3A_80] : memref<106496xf32, #tpu.memory_space<hbm>> -> memref<106496xf32, #tpu.memory_space<hbm>>
    tpu.enqueue_indirect_dma source(%dma_start3A_81 : memref<106496xf32, #tpu.memory_space<hbm>>) target(%dma_start3A_77 : memref<128xf32, #tpu.memory_space<vmem>>) offsets(%dma_start3A_79 : memref<128xi32, #tpu.memory_space<vmem>>) semaphore(%arg24 : memref<!tpu.dma_semaphore, #tpu.memory_space<semaphore_mem>>)
    %dma_start3A_82 = arith.constant 768 : i32
    %dma_start3A_83 = tpu.memref_slice %arg21[%dma_start3A_82] : memref<5120xf32, #tpu.memory_space<vmem>> -> memref<128xf32, #tpu.memory_space<vmem>>
    %dma_start3A_84 = arith.constant 768 : i32
    %dma_start3A_85 = tpu.memref_slice %arg20[%dma_start3A_84] : memref<5120xi32, #tpu.memory_space<vmem>> -> memref<128xi32, #tpu.memory_space<vmem>>
    %dma_start3A_86 = arith.constant 0 : i32
    %dma_start3A_87 = tpu.memref_slice %arg7[%dma_start3A_86] : memref<106496xf32, #tpu.memory_space<hbm>> -> memref<106496xf32, #tpu.memory_space<hbm>>
    tpu.enqueue_indirect_dma source(%dma_start3A_87 : memref<106496xf32, #tpu.memory_space<hbm>>) target(%dma_start3A_83 : memref<128xf32, #tpu.memory_space<vmem>>) offsets(%dma_start3A_85 : memref<128xi32, #tpu.memory_space<vmem>>) semaphore(%arg24 : memref<!tpu.dma_semaphore, #tpu.memory_space<semaphore_mem>>)
    %dma_start3A_88 = arith.constant 896 : i32
    %dma_start3A_89 = tpu.memref_slice %arg21[%dma_start3A_88] : memref<5120xf32, #tpu.memory_space<vmem>> -> memref<128xf32, #tpu.memory_space<vmem>>
    %dma_start3A_90 = arith.constant 896 : i32
    %dma_start3A_91 = tpu.memref_slice %arg20[%dma_start3A_90] : memref<5120xi32, #tpu.memory_space<vmem>> -> memref<128xi32, #tpu.memory_space<vmem>>
    %dma_start3A_92 = arith.constant 0 : i32
    %dma_start3A_93 = tpu.memref_slice %arg7[%dma_start3A_92] : memref<106496xf32, #tpu.memory_space<hbm>> -> memref<106496xf32, #tpu.memory_space<hbm>>
    tpu.enqueue_indirect_dma source(%dma_start3A_93 : memref<106496xf32, #tpu.memory_space<hbm>>) target(%dma_start3A_89 : memref<128xf32, #tpu.memory_space<vmem>>) offsets(%dma_start3A_91 : memref<128xi32, #tpu.memory_space<vmem>>) semaphore(%arg24 : memref<!tpu.dma_semaphore, #tpu.memory_space<semaphore_mem>>)
    %dma_start3A_94 = arith.constant 1024 : i32
    %dma_start3A_95 = tpu.memref_slice %arg21[%dma_start3A_94] : memref<5120xf32, #tpu.memory_space<vmem>> -> memref<128xf32, #tpu.memory_space<vmem>>
    %dma_start3A_96 = arith.constant 1024 : i32
    %dma_start3A_97 = tpu.memref_slice %arg20[%dma_start3A_96] : memref<5120xi32, #tpu.memory_space<vmem>> -> memref<128xi32, #tpu.memory_space<vmem>>
    %dma_start3A_98 = arith.constant 0 : i32
    %dma_start3A_99 = tpu.memref_slice %arg7[%dma_start3A_98] : memref<106496xf32, #tpu.memory_space<hbm>> -> memref<106496xf32, #tpu.memory_space<hbm>>
    tpu.enqueue_indirect_dma source(%dma_start3A_99 : memref<106496xf32, #tpu.memory_space<hbm>>) target(%dma_start3A_95 : memref<128xf32, #tpu.memory_space<vmem>>) offsets(%dma_start3A_97 : memref<128xi32, #tpu.memory_space<vmem>>) semaphore(%arg24 : memref<!tpu.dma_semaphore, #tpu.memory_space<semaphore_mem>>)
    %dma_start3A_100 = arith.constant 1152 : i32
    %dma_start3A_101 = tpu.memref_slice %arg21[%dma_start3A_100] : memref<5120xf32, #tpu.memory_space<vmem>> -> memref<128xf32, #tpu.memory_space<vmem>>
    %dma_start3A_102 = arith.constant 1152 : i32
    %dma_start3A_103 = tpu.memref_slice %arg20[%dma_start3A_102] : memref<5120xi32, #tpu.memory_space<vmem>> -> memref<128xi32, #tpu.memory_space<vmem>>
    %dma_start3A_104 = arith.constant 0 : i32
    %dma_start3A_105 = tpu.memref_slice %arg7[%dma_start3A_104] : memref<106496xf32, #tpu.memory_space<hbm>> -> memref<106496xf32, #tpu.memory_space<hbm>>
    tpu.enqueue_indirect_dma source(%dma_start3A_105 : memref<106496xf32, #tpu.memory_space<hbm>>) target(%dma_start3A_101 : memref<128xf32, #tpu.memory_space<vmem>>) offsets(%dma_start3A_103 : memref<128xi32, #tpu.memory_space<vmem>>) semaphore(%arg24 : memref<!tpu.dma_semaphore, #tpu.memory_space<semaphore_mem>>)
    %dma_start3A_106 = arith.constant 1280 : i32
    %dma_start3A_107 = tpu.memref_slice %arg21[%dma_start3A_106] : memref<5120xf32, #tpu.memory_space<vmem>> -> memref<128xf32, #tpu.memory_space<vmem>>
    %dma_start3A_108 = arith.constant 1280 : i32
    %dma_start3A_109 = tpu.memref_slice %arg20[%dma_start3A_108] : memref<5120xi32, #tpu.memory_space<vmem>> -> memref<128xi32, #tpu.memory_space<vmem>>
    %dma_start3A_110 = arith.constant 0 : i32
    %dma_start3A_111 = tpu.memref_slice %arg7[%dma_start3A_110] : memref<106496xf32, #tpu.memory_space<hbm>> -> memref<106496xf32, #tpu.memory_space<hbm>>
    tpu.enqueue_indirect_dma source(%dma_start3A_111 : memref<106496xf32, #tpu.memory_space<hbm>>) target(%dma_start3A_107 : memref<128xf32, #tpu.memory_space<vmem>>) offsets(%dma_start3A_109 : memref<128xi32, #tpu.memory_space<vmem>>) semaphore(%arg24 : memref<!tpu.dma_semaphore, #tpu.memory_space<semaphore_mem>>)
    %dma_start3A_112 = arith.constant 1408 : i32
    %dma_start3A_113 = tpu.memref_slice %arg21[%dma_start3A_112] : memref<5120xf32, #tpu.memory_space<vmem>> -> memref<128xf32, #tpu.memory_space<vmem>>
    %dma_start3A_114 = arith.constant 1408 : i32
    %dma_start3A_115 = tpu.memref_slice %arg20[%dma_start3A_114] : memref<5120xi32, #tpu.memory_space<vmem>> -> memref<128xi32, #tpu.memory_space<vmem>>
    %dma_start3A_116 = arith.constant 0 : i32
    %dma_start3A_117 = tpu.memref_slice %arg7[%dma_start3A_116] : memref<106496xf32, #tpu.memory_space<hbm>> -> memref<106496xf32, #tpu.memory_space<hbm>>
    tpu.enqueue_indirect_dma source(%dma_start3A_117 : memref<106496xf32, #tpu.memory_space<hbm>>) target(%dma_start3A_113 : memref<128xf32, #tpu.memory_space<vmem>>) offsets(%dma_start3A_115 : memref<128xi32, #tpu.memory_space<vmem>>) semaphore(%arg24 : memref<!tpu.dma_semaphore, #tpu.memory_space<semaphore_mem>>)
    %dma_start3A_118 = arith.constant 1536 : i32
    %dma_start3A_119 = tpu.memref_slice %arg21[%dma_start3A_118] : memref<5120xf32, #tpu.memory_space<vmem>> -> memref<128xf32, #tpu.memory_space<vmem>>
    %dma_start3A_120 = arith.constant 1536 : i32
    %dma_start3A_121 = tpu.memref_slice %arg20[%dma_start3A_120] : memref<5120xi32, #tpu.memory_space<vmem>> -> memref<128xi32, #tpu.memory_space<vmem>>
    %dma_start3A_122 = arith.constant 0 : i32
    %dma_start3A_123 = tpu.memref_slice %arg7[%dma_start3A_122] : memref<106496xf32, #tpu.memory_space<hbm>> -> memref<106496xf32, #tpu.memory_space<hbm>>
    tpu.enqueue_indirect_dma source(%dma_start3A_123 : memref<106496xf32, #tpu.memory_space<hbm>>) target(%dma_start3A_119 : memref<128xf32, #tpu.memory_space<vmem>>) offsets(%dma_start3A_121 : memref<128xi32, #tpu.memory_space<vmem>>) semaphore(%arg24 : memref<!tpu.dma_semaphore, #tpu.memory_space<semaphore_mem>>)
    %dma_start3A_124 = arith.constant 1664 : i32
    %dma_start3A_125 = tpu.memref_slice %arg21[%dma_start3A_124] : memref<5120xf32, #tpu.memory_space<vmem>> -> memref<128xf32, #tpu.memory_space<vmem>>
    %dma_start3A_126 = arith.constant 1664 : i32
    %dma_start3A_127 = tpu.memref_slice %arg20[%dma_start3A_126] : memref<5120xi32, #tpu.memory_space<vmem>> -> memref<128xi32, #tpu.memory_space<vmem>>
    %dma_start3A_128 = arith.constant 0 : i32
    %dma_start3A_129 = tpu.memref_slice %arg7[%dma_start3A_128] : memref<106496xf32, #tpu.memory_space<hbm>> -> memref<106496xf32, #tpu.memory_space<hbm>>
    tpu.enqueue_indirect_dma source(%dma_start3A_129 : memref<106496xf32, #tpu.memory_space<hbm>>) target(%dma_start3A_125 : memref<128xf32, #tpu.memory_space<vmem>>) offsets(%dma_start3A_127 : memref<128xi32, #tpu.memory_space<vmem>>) semaphore(%arg24 : memref<!tpu.dma_semaphore, #tpu.memory_space<semaphore_mem>>)
    %dma_start3A_130 = arith.constant 1792 : i32
    %dma_start3A_131 = tpu.memref_slice %arg21[%dma_start3A_130] : memref<5120xf32, #tpu.memory_space<vmem>> -> memref<128xf32, #tpu.memory_space<vmem>>
    %dma_start3A_132 = arith.constant 1792 : i32
    %dma_start3A_133 = tpu.memref_slice %arg20[%dma_start3A_132] : memref<5120xi32, #tpu.memory_space<vmem>> -> memref<128xi32, #tpu.memory_space<vmem>>
    %dma_start3A_134 = arith.constant 0 : i32
    %dma_start3A_135 = tpu.memref_slice %arg7[%dma_start3A_134] : memref<106496xf32, #tpu.memory_space<hbm>> -> memref<106496xf32, #tpu.memory_space<hbm>>
    tpu.enqueue_indirect_dma source(%dma_start3A_135 : memref<106496xf32, #tpu.memory_space<hbm>>) target(%dma_start3A_131 : memref<128xf32, #tpu.memory_space<vmem>>) offsets(%dma_start3A_133 : memref<128xi32, #tpu.memory_space<vmem>>) semaphore(%arg24 : memref<!tpu.dma_semaphore, #tpu.memory_space<semaphore_mem>>)
    %dma_start3A_136 = arith.constant 1920 : i32
    %dma_start3A_137 = tpu.memref_slice %arg21[%dma_start3A_136] : memref<5120xf32, #tpu.memory_space<vmem>> -> memref<128xf32, #tpu.memory_space<vmem>>
    %dma_start3A_138 = arith.constant 1920 : i32
    %dma_start3A_139 = tpu.memref_slice %arg20[%dma_start3A_138] : memref<5120xi32, #tpu.memory_space<vmem>> -> memref<128xi32, #tpu.memory_space<vmem>>
    %dma_start3A_140 = arith.constant 0 : i32
    %dma_start3A_141 = tpu.memref_slice %arg7[%dma_start3A_140] : memref<106496xf32, #tpu.memory_space<hbm>> -> memref<106496xf32, #tpu.memory_space<hbm>>
    tpu.enqueue_indirect_dma source(%dma_start3A_141 : memref<106496xf32, #tpu.memory_space<hbm>>) target(%dma_start3A_137 : memref<128xf32, #tpu.memory_space<vmem>>) offsets(%dma_start3A_139 : memref<128xi32, #tpu.memory_space<vmem>>) semaphore(%arg24 : memref<!tpu.dma_semaphore, #tpu.memory_space<semaphore_mem>>)
    %dma_start3A_142 = arith.constant 2048 : i32
    %dma_start3A_143 = tpu.memref_slice %arg21[%dma_start3A_142] : memref<5120xf32, #tpu.memory_space<vmem>> -> memref<128xf32, #tpu.memory_space<vmem>>
    %dma_start3A_144 = arith.constant 2048 : i32
    %dma_start3A_145 = tpu.memref_slice %arg20[%dma_start3A_144] : memref<5120xi32, #tpu.memory_space<vmem>> -> memref<128xi32, #tpu.memory_space<vmem>>
    %dma_start3A_146 = arith.constant 0 : i32
    %dma_start3A_147 = tpu.memref_slice %arg7[%dma_start3A_146] : memref<106496xf32, #tpu.memory_space<hbm>> -> memref<106496xf32, #tpu.memory_space<hbm>>
    tpu.enqueue_indirect_dma source(%dma_start3A_147 : memref<106496xf32, #tpu.memory_space<hbm>>) target(%dma_start3A_143 : memref<128xf32, #tpu.memory_space<vmem>>) offsets(%dma_start3A_145 : memref<128xi32, #tpu.memory_space<vmem>>) semaphore(%arg24 : memref<!tpu.dma_semaphore, #tpu.memory_space<semaphore_mem>>)
    %dma_start3A_148 = arith.constant 2176 : i32
    %dma_start3A_149 = tpu.memref_slice %arg21[%dma_start3A_148] : memref<5120xf32, #tpu.memory_space<vmem>> -> memref<128xf32, #tpu.memory_space<vmem>>
    %dma_start3A_150 = arith.constant 2176 : i32
    %dma_start3A_151 = tpu.memref_slice %arg20[%dma_start3A_150] : memref<5120xi32, #tpu.memory_space<vmem>> -> memref<128xi32, #tpu.memory_space<vmem>>
    %dma_start3A_152 = arith.constant 0 : i32
    %dma_start3A_153 = tpu.memref_slice %arg7[%dma_start3A_152] : memref<106496xf32, #tpu.memory_space<hbm>> -> memref<106496xf32, #tpu.memory_space<hbm>>
    tpu.enqueue_indirect_dma source(%dma_start3A_153 : memref<106496xf32, #tpu.memory_space<hbm>>) target(%dma_start3A_149 : memref<128xf32, #tpu.memory_space<vmem>>) offsets(%dma_start3A_151 : memref<128xi32, #tpu.memory_space<vmem>>) semaphore(%arg24 : memref<!tpu.dma_semaphore, #tpu.memory_space<semaphore_mem>>)
    %dma_start3A_154 = arith.constant 2304 : i32
    %dma_start3A_155 = tpu.memref_slice %arg21[%dma_start3A_154] : memref<5120xf32, #tpu.memory_space<vmem>> -> memref<128xf32, #tpu.memory_space<vmem>>
    %dma_start3A_156 = arith.constant 2304 : i32
    %dma_start3A_157 = tpu.memref_slice %arg20[%dma_start3A_156] : memref<5120xi32, #tpu.memory_space<vmem>> -> memref<128xi32, #tpu.memory_space<vmem>>
    %dma_start3A_158 = arith.constant 0 : i32
    %dma_start3A_159 = tpu.memref_slice %arg7[%dma_start3A_158] : memref<106496xf32, #tpu.memory_space<hbm>> -> memref<106496xf32, #tpu.memory_space<hbm>>
    tpu.enqueue_indirect_dma source(%dma_start3A_159 : memref<106496xf32, #tpu.memory_space<hbm>>) target(%dma_start3A_155 : memref<128xf32, #tpu.memory_space<vmem>>) offsets(%dma_start3A_157 : memref<128xi32, #tpu.memory_space<vmem>>) semaphore(%arg24 : memref<!tpu.dma_semaphore, #tpu.memory_space<semaphore_mem>>)
    %dma_start3A_160 = arith.constant 2432 : i32
    %dma_start3A_161 = tpu.memref_slice %arg21[%dma_start3A_160] : memref<5120xf32, #tpu.memory_space<vmem>> -> memref<128xf32, #tpu.memory_space<vmem>>
    %dma_start3A_162 = arith.constant 2432 : i32
    %dma_start3A_163 = tpu.memref_slice %arg20[%dma_start3A_162] : memref<5120xi32, #tpu.memory_space<vmem>> -> memref<128xi32, #tpu.memory_space<vmem>>
    %dma_start3A_164 = arith.constant 0 : i32
    %dma_start3A_165 = tpu.memref_slice %arg7[%dma_start3A_164] : memref<106496xf32, #tpu.memory_space<hbm>> -> memref<106496xf32, #tpu.memory_space<hbm>>
    tpu.enqueue_indirect_dma source(%dma_start3A_165 : memref<106496xf32, #tpu.memory_space<hbm>>) target(%dma_start3A_161 : memref<128xf32, #tpu.memory_space<vmem>>) offsets(%dma_start3A_163 : memref<128xi32, #tpu.memory_space<vmem>>) semaphore(%arg24 : memref<!tpu.dma_semaphore, #tpu.memory_space<semaphore_mem>>)
    %dma_start3A_166 = arith.constant 2560 : i32
    %dma_start3A_167 = tpu.memref_slice %arg21[%dma_start3A_166] : memref<5120xf32, #tpu.memory_space<vmem>> -> memref<128xf32, #tpu.memory_space<vmem>>
    %dma_start3A_168 = arith.constant 2560 : i32
    %dma_start3A_169 = tpu.memref_slice %arg20[%dma_start3A_168] : memref<5120xi32, #tpu.memory_space<vmem>> -> memref<128xi32, #tpu.memory_space<vmem>>
    %dma_start3A_170 = arith.constant 0 : i32
    %dma_start3A_171 = tpu.memref_slice %arg7[%dma_start3A_170] : memref<106496xf32, #tpu.memory_space<hbm>> -> memref<106496xf32, #tpu.memory_space<hbm>>
    tpu.enqueue_indirect_dma source(%dma_start3A_171 : memref<106496xf32, #tpu.memory_space<hbm>>) target(%dma_start3A_167 : memref<128xf32, #tpu.memory_space<vmem>>) offsets(%dma_start3A_169 : memref<128xi32, #tpu.memory_space<vmem>>) semaphore(%arg24 : memref<!tpu.dma_semaphore, #tpu.memory_space<semaphore_mem>>)
    %dma_start3A_172 = arith.constant 2688 : i32
    %dma_start3A_173 = tpu.memref_slice %arg21[%dma_start3A_172] : memref<5120xf32, #tpu.memory_space<vmem>> -> memref<128xf32, #tpu.memory_space<vmem>>
    %dma_start3A_174 = arith.constant 2688 : i32
    %dma_start3A_175 = tpu.memref_slice %arg20[%dma_start3A_174] : memref<5120xi32, #tpu.memory_space<vmem>> -> memref<128xi32, #tpu.memory_space<vmem>>
    %dma_start3A_176 = arith.constant 0 : i32
    %dma_start3A_177 = tpu.memref_slice %arg7[%dma_start3A_176] : memref<106496xf32, #tpu.memory_space<hbm>> -> memref<106496xf32, #tpu.memory_space<hbm>>
    tpu.enqueue_indirect_dma source(%dma_start3A_177 : memref<106496xf32, #tpu.memory_space<hbm>>) target(%dma_start3A_173 : memref<128xf32, #tpu.memory_space<vmem>>) offsets(%dma_start3A_175 : memref<128xi32, #tpu.memory_space<vmem>>) semaphore(%arg24 : memref<!tpu.dma_semaphore, #tpu.memory_space<semaphore_mem>>)
    %dma_start3A_178 = arith.constant 2816 : i32
    %dma_start3A_179 = tpu.memref_slice %arg21[%dma_start3A_178] : memref<5120xf32, #tpu.memory_space<vmem>> -> memref<128xf32, #tpu.memory_space<vmem>>
    %dma_start3A_180 = arith.constant 2816 : i32
    %dma_start3A_181 = tpu.memref_slice %arg20[%dma_start3A_180] : memref<5120xi32, #tpu.memory_space<vmem>> -> memref<128xi32, #tpu.memory_space<vmem>>
    %dma_start3A_182 = arith.constant 0 : i32
    %dma_start3A_183 = tpu.memref_slice %arg7[%dma_start3A_182] : memref<106496xf32, #tpu.memory_space<hbm>> -> memref<106496xf32, #tpu.memory_space<hbm>>
    tpu.enqueue_indirect_dma source(%dma_start3A_183 : memref<106496xf32, #tpu.memory_space<hbm>>) target(%dma_start3A_179 : memref<128xf32, #tpu.memory_space<vmem>>) offsets(%dma_start3A_181 : memref<128xi32, #tpu.memory_space<vmem>>) semaphore(%arg24 : memref<!tpu.dma_semaphore, #tpu.memory_space<semaphore_mem>>)
    %dma_start3A_184 = arith.constant 2944 : i32
    %dma_start3A_185 = tpu.memref_slice %arg21[%dma_start3A_184] : memref<5120xf32, #tpu.memory_space<vmem>> -> memref<128xf32, #tpu.memory_space<vmem>>
    %dma_start3A_186 = arith.constant 2944 : i32
    %dma_start3A_187 = tpu.memref_slice %arg20[%dma_start3A_186] : memref<5120xi32, #tpu.memory_space<vmem>> -> memref<128xi32, #tpu.memory_space<vmem>>
    %dma_start3A_188 = arith.constant 0 : i32
    %dma_start3A_189 = tpu.memref_slice %arg7[%dma_start3A_188] : memref<106496xf32, #tpu.memory_space<hbm>> -> memref<106496xf32, #tpu.memory_space<hbm>>
    tpu.enqueue_indirect_dma source(%dma_start3A_189 : memref<106496xf32, #tpu.memory_space<hbm>>) target(%dma_start3A_185 : memref<128xf32, #tpu.memory_space<vmem>>) offsets(%dma_start3A_187 : memref<128xi32, #tpu.memory_space<vmem>>) semaphore(%arg24 : memref<!tpu.dma_semaphore, #tpu.memory_space<semaphore_mem>>)
    %dma_start3A_190 = arith.constant 3072 : i32
    %dma_start3A_191 = tpu.memref_slice %arg21[%dma_start3A_190] : memref<5120xf32, #tpu.memory_space<vmem>> -> memref<128xf32, #tpu.memory_space<vmem>>
    %dma_start3A_192 = arith.constant 3072 : i32
    %dma_start3A_193 = tpu.memref_slice %arg20[%dma_start3A_192] : memref<5120xi32, #tpu.memory_space<vmem>> -> memref<128xi32, #tpu.memory_space<vmem>>
    %dma_start3A_194 = arith.constant 0 : i32
    %dma_start3A_195 = tpu.memref_slice %arg7[%dma_start3A_194] : memref<106496xf32, #tpu.memory_space<hbm>> -> memref<106496xf32, #tpu.memory_space<hbm>>
    tpu.enqueue_indirect_dma source(%dma_start3A_195 : memref<106496xf32, #tpu.memory_space<hbm>>) target(%dma_start3A_191 : memref<128xf32, #tpu.memory_space<vmem>>) offsets(%dma_start3A_193 : memref<128xi32, #tpu.memory_space<vmem>>) semaphore(%arg24 : memref<!tpu.dma_semaphore, #tpu.memory_space<semaphore_mem>>)
    %dma_start3A_196 = arith.constant 3200 : i32
    %dma_start3A_197 = tpu.memref_slice %arg21[%dma_start3A_196] : memref<5120xf32, #tpu.memory_space<vmem>> -> memref<128xf32, #tpu.memory_space<vmem>>
    %dma_start3A_198 = arith.constant 3200 : i32
    %dma_start3A_199 = tpu.memref_slice %arg20[%dma_start3A_198] : memref<5120xi32, #tpu.memory_space<vmem>> -> memref<128xi32, #tpu.memory_space<vmem>>
    %dma_start3A_200 = arith.constant 0 : i32
    %dma_start3A_201 = tpu.memref_slice %arg7[%dma_start3A_200] : memref<106496xf32, #tpu.memory_space<hbm>> -> memref<106496xf32, #tpu.memory_space<hbm>>
    tpu.enqueue_indirect_dma source(%dma_start3A_201 : memref<106496xf32, #tpu.memory_space<hbm>>) target(%dma_start3A_197 : memref<128xf32, #tpu.memory_space<vmem>>) offsets(%dma_start3A_199 : memref<128xi32, #tpu.memory_space<vmem>>) semaphore(%arg24 : memref<!tpu.dma_semaphore, #tpu.memory_space<semaphore_mem>>)
    %dma_start3A_202 = arith.constant 3328 : i32
    %dma_start3A_203 = tpu.memref_slice %arg21[%dma_start3A_202] : memref<5120xf32, #tpu.memory_space<vmem>> -> memref<128xf32, #tpu.memory_space<vmem>>
    %dma_start3A_204 = arith.constant 3328 : i32
    %dma_start3A_205 = tpu.memref_slice %arg20[%dma_start3A_204] : memref<5120xi32, #tpu.memory_space<vmem>> -> memref<128xi32, #tpu.memory_space<vmem>>
    %dma_start3A_206 = arith.constant 0 : i32
    %dma_start3A_207 = tpu.memref_slice %arg7[%dma_start3A_206] : memref<106496xf32, #tpu.memory_space<hbm>> -> memref<106496xf32, #tpu.memory_space<hbm>>
    tpu.enqueue_indirect_dma source(%dma_start3A_207 : memref<106496xf32, #tpu.memory_space<hbm>>) target(%dma_start3A_203 : memref<128xf32, #tpu.memory_space<vmem>>) offsets(%dma_start3A_205 : memref<128xi32, #tpu.memory_space<vmem>>) semaphore(%arg24 : memref<!tpu.dma_semaphore, #tpu.memory_space<semaphore_mem>>)
    %dma_start3A_208 = arith.constant 3456 : i32
    %dma_start3A_209 = tpu.memref_slice %arg21[%dma_start3A_208] : memref<5120xf32, #tpu.memory_space<vmem>> -> memref<128xf32, #tpu.memory_space<vmem>>
    %dma_start3A_210 = arith.constant 3456 : i32
    %dma_start3A_211 = tpu.memref_slice %arg20[%dma_start3A_210] : memref<5120xi32, #tpu.memory_space<vmem>> -> memref<128xi32, #tpu.memory_space<vmem>>
    %dma_start3A_212 = arith.constant 0 : i32
    %dma_start3A_213 = tpu.memref_slice %arg7[%dma_start3A_212] : memref<106496xf32, #tpu.memory_space<hbm>> -> memref<106496xf32, #tpu.memory_space<hbm>>
    tpu.enqueue_indirect_dma source(%dma_start3A_213 : memref<106496xf32, #tpu.memory_space<hbm>>) target(%dma_start3A_209 : memref<128xf32, #tpu.memory_space<vmem>>) offsets(%dma_start3A_211 : memref<128xi32, #tpu.memory_space<vmem>>) semaphore(%arg24 : memref<!tpu.dma_semaphore, #tpu.memory_space<semaphore_mem>>)
    %dma_start3A_214 = arith.constant 3584 : i32
    %dma_start3A_215 = tpu.memref_slice %arg21[%dma_start3A_214] : memref<5120xf32, #tpu.memory_space<vmem>> -> memref<128xf32, #tpu.memory_space<vmem>>
    %dma_start3A_216 = arith.constant 3584 : i32
    %dma_start3A_217 = tpu.memref_slice %arg20[%dma_start3A_216] : memref<5120xi32, #tpu.memory_space<vmem>> -> memref<128xi32, #tpu.memory_space<vmem>>
    %dma_start3A_218 = arith.constant 0 : i32
    %dma_start3A_219 = tpu.memref_slice %arg7[%dma_start3A_218] : memref<106496xf32, #tpu.memory_space<hbm>> -> memref<106496xf32, #tpu.memory_space<hbm>>
    tpu.enqueue_indirect_dma source(%dma_start3A_219 : memref<106496xf32, #tpu.memory_space<hbm>>) target(%dma_start3A_215 : memref<128xf32, #tpu.memory_space<vmem>>) offsets(%dma_start3A_217 : memref<128xi32, #tpu.memory_space<vmem>>) semaphore(%arg24 : memref<!tpu.dma_semaphore, #tpu.memory_space<semaphore_mem>>)
    %dma_start3A_220 = arith.constant 3712 : i32
    %dma_start3A_221 = tpu.memref_slice %arg21[%dma_start3A_220] : memref<5120xf32, #tpu.memory_space<vmem>> -> memref<128xf32, #tpu.memory_space<vmem>>
    %dma_start3A_222 = arith.constant 3712 : i32
    %dma_start3A_223 = tpu.memref_slice %arg20[%dma_start3A_222] : memref<5120xi32, #tpu.memory_space<vmem>> -> memref<128xi32, #tpu.memory_space<vmem>>
    %dma_start3A_224 = arith.constant 0 : i32
    %dma_start3A_225 = tpu.memref_slice %arg7[%dma_start3A_224] : memref<106496xf32, #tpu.memory_space<hbm>> -> memref<106496xf32, #tpu.memory_space<hbm>>
    tpu.enqueue_indirect_dma source(%dma_start3A_225 : memref<106496xf32, #tpu.memory_space<hbm>>) target(%dma_start3A_221 : memref<128xf32, #tpu.memory_space<vmem>>) offsets(%dma_start3A_223 : memref<128xi32, #tpu.memory_space<vmem>>) semaphore(%arg24 : memref<!tpu.dma_semaphore, #tpu.memory_space<semaphore_mem>>)
    %dma_start3A_226 = arith.constant 3840 : i32
    %dma_start3A_227 = tpu.memref_slice %arg21[%dma_start3A_226] : memref<5120xf32, #tpu.memory_space<vmem>> -> memref<128xf32, #tpu.memory_space<vmem>>
    %dma_start3A_228 = arith.constant 3840 : i32
    %dma_start3A_229 = tpu.memref_slice %arg20[%dma_start3A_228] : memref<5120xi32, #tpu.memory_space<vmem>> -> memref<128xi32, #tpu.memory_space<vmem>>
    %dma_start3A_230 = arith.constant 0 : i32
    %dma_start3A_231 = tpu.memref_slice %arg7[%dma_start3A_230] : memref<106496xf32, #tpu.memory_space<hbm>> -> memref<106496xf32, #tpu.memory_space<hbm>>
    tpu.enqueue_indirect_dma source(%dma_start3A_231 : memref<106496xf32, #tpu.memory_space<hbm>>) target(%dma_start3A_227 : memref<128xf32, #tpu.memory_space<vmem>>) offsets(%dma_start3A_229 : memref<128xi32, #tpu.memory_space<vmem>>) semaphore(%arg24 : memref<!tpu.dma_semaphore, #tpu.memory_space<semaphore_mem>>)
    %dma_start3A_232 = arith.constant 3968 : i32
    %dma_start3A_233 = tpu.memref_slice %arg21[%dma_start3A_232] : memref<5120xf32, #tpu.memory_space<vmem>> -> memref<128xf32, #tpu.memory_space<vmem>>
    %dma_start3A_234 = arith.constant 3968 : i32
    %dma_start3A_235 = tpu.memref_slice %arg20[%dma_start3A_234] : memref<5120xi32, #tpu.memory_space<vmem>> -> memref<128xi32, #tpu.memory_space<vmem>>
    %dma_start3A_236 = arith.constant 0 : i32
    %dma_start3A_237 = tpu.memref_slice %arg7[%dma_start3A_236] : memref<106496xf32, #tpu.memory_space<hbm>> -> memref<106496xf32, #tpu.memory_space<hbm>>
    tpu.enqueue_indirect_dma source(%dma_start3A_237 : memref<106496xf32, #tpu.memory_space<hbm>>) target(%dma_start3A_233 : memref<128xf32, #tpu.memory_space<vmem>>) offsets(%dma_start3A_235 : memref<128xi32, #tpu.memory_space<vmem>>) semaphore(%arg24 : memref<!tpu.dma_semaphore, #tpu.memory_space<semaphore_mem>>)
    %dma_start3A_238 = arith.constant 4096 : i32
    %dma_start3A_239 = tpu.memref_slice %arg21[%dma_start3A_238] : memref<5120xf32, #tpu.memory_space<vmem>> -> memref<128xf32, #tpu.memory_space<vmem>>
    %dma_start3A_240 = arith.constant 4096 : i32
    %dma_start3A_241 = tpu.memref_slice %arg20[%dma_start3A_240] : memref<5120xi32, #tpu.memory_space<vmem>> -> memref<128xi32, #tpu.memory_space<vmem>>
    %dma_start3A_242 = arith.constant 0 : i32
    %dma_start3A_243 = tpu.memref_slice %arg7[%dma_start3A_242] : memref<106496xf32, #tpu.memory_space<hbm>> -> memref<106496xf32, #tpu.memory_space<hbm>>
    tpu.enqueue_indirect_dma source(%dma_start3A_243 : memref<106496xf32, #tpu.memory_space<hbm>>) target(%dma_start3A_239 : memref<128xf32, #tpu.memory_space<vmem>>) offsets(%dma_start3A_241 : memref<128xi32, #tpu.memory_space<vmem>>) semaphore(%arg24 : memref<!tpu.dma_semaphore, #tpu.memory_space<semaphore_mem>>)
    %dma_start3A_244 = arith.constant 4224 : i32
    %dma_start3A_245 = tpu.memref_slice %arg21[%dma_start3A_244] : memref<5120xf32, #tpu.memory_space<vmem>> -> memref<128xf32, #tpu.memory_space<vmem>>
    %dma_start3A_246 = arith.constant 4224 : i32
    %dma_start3A_247 = tpu.memref_slice %arg20[%dma_start3A_246] : memref<5120xi32, #tpu.memory_space<vmem>> -> memref<128xi32, #tpu.memory_space<vmem>>
    %dma_start3A_248 = arith.constant 0 : i32
    %dma_start3A_249 = tpu.memref_slice %arg7[%dma_start3A_248] : memref<106496xf32, #tpu.memory_space<hbm>> -> memref<106496xf32, #tpu.memory_space<hbm>>
    tpu.enqueue_indirect_dma source(%dma_start3A_249 : memref<106496xf32, #tpu.memory_space<hbm>>) target(%dma_start3A_245 : memref<128xf32, #tpu.memory_space<vmem>>) offsets(%dma_start3A_247 : memref<128xi32, #tpu.memory_space<vmem>>) semaphore(%arg24 : memref<!tpu.dma_semaphore, #tpu.memory_space<semaphore_mem>>)
    %dma_start3A_250 = arith.constant 4352 : i32
    %dma_start3A_251 = tpu.memref_slice %arg21[%dma_start3A_250] : memref<5120xf32, #tpu.memory_space<vmem>> -> memref<128xf32, #tpu.memory_space<vmem>>
    %dma_start3A_252 = arith.constant 4352 : i32
    %dma_start3A_253 = tpu.memref_slice %arg20[%dma_start3A_252] : memref<5120xi32, #tpu.memory_space<vmem>> -> memref<128xi32, #tpu.memory_space<vmem>>
    %dma_start3A_254 = arith.constant 0 : i32
    %dma_start3A_255 = tpu.memref_slice %arg7[%dma_start3A_254] : memref<106496xf32, #tpu.memory_space<hbm>> -> memref<106496xf32, #tpu.memory_space<hbm>>
    tpu.enqueue_indirect_dma source(%dma_start3A_255 : memref<106496xf32, #tpu.memory_space<hbm>>) target(%dma_start3A_251 : memref<128xf32, #tpu.memory_space<vmem>>) offsets(%dma_start3A_253 : memref<128xi32, #tpu.memory_space<vmem>>) semaphore(%arg24 : memref<!tpu.dma_semaphore, #tpu.memory_space<semaphore_mem>>)
    %dma_start3A_256 = arith.constant 4480 : i32
    %dma_start3A_257 = tpu.memref_slice %arg21[%dma_start3A_256] : memref<5120xf32, #tpu.memory_space<vmem>> -> memref<128xf32, #tpu.memory_space<vmem>>
    %dma_start3A_258 = arith.constant 4480 : i32
    %dma_start3A_259 = tpu.memref_slice %arg20[%dma_start3A_258] : memref<5120xi32, #tpu.memory_space<vmem>> -> memref<128xi32, #tpu.memory_space<vmem>>
    %dma_start3A_260 = arith.constant 0 : i32
    %dma_start3A_261 = tpu.memref_slice %arg7[%dma_start3A_260] : memref<106496xf32, #tpu.memory_space<hbm>> -> memref<106496xf32, #tpu.memory_space<hbm>>
    tpu.enqueue_indirect_dma source(%dma_start3A_261 : memref<106496xf32, #tpu.memory_space<hbm>>) target(%dma_start3A_257 : memref<128xf32, #tpu.memory_space<vmem>>) offsets(%dma_start3A_259 : memref<128xi32, #tpu.memory_space<vmem>>) semaphore(%arg24 : memref<!tpu.dma_semaphore, #tpu.memory_space<semaphore_mem>>)
    %dma_start3A_262 = arith.constant 4608 : i32
    %dma_start3A_263 = tpu.memref_slice %arg21[%dma_start3A_262] : memref<5120xf32, #tpu.memory_space<vmem>> -> memref<128xf32, #tpu.memory_space<vmem>>
    %dma_start3A_264 = arith.constant 4608 : i32
    %dma_start3A_265 = tpu.memref_slice %arg20[%dma_start3A_264] : memref<5120xi32, #tpu.memory_space<vmem>> -> memref<128xi32, #tpu.memory_space<vmem>>
    %dma_start3A_266 = arith.constant 0 : i32
    %dma_start3A_267 = tpu.memref_slice %arg7[%dma_start3A_266] : memref<106496xf32, #tpu.memory_space<hbm>> -> memref<106496xf32, #tpu.memory_space<hbm>>
    tpu.enqueue_indirect_dma source(%dma_start3A_267 : memref<106496xf32, #tpu.memory_space<hbm>>) target(%dma_start3A_263 : memref<128xf32, #tpu.memory_space<vmem>>) offsets(%dma_start3A_265 : memref<128xi32, #tpu.memory_space<vmem>>) semaphore(%arg24 : memref<!tpu.dma_semaphore, #tpu.memory_space<semaphore_mem>>)
    %dma_start3A_268 = arith.constant 4736 : i32
    %dma_start3A_269 = tpu.memref_slice %arg21[%dma_start3A_268] : memref<5120xf32, #tpu.memory_space<vmem>> -> memref<128xf32, #tpu.memory_space<vmem>>
    %dma_start3A_270 = arith.constant 4736 : i32
    %dma_start3A_271 = tpu.memref_slice %arg20[%dma_start3A_270] : memref<5120xi32, #tpu.memory_space<vmem>> -> memref<128xi32, #tpu.memory_space<vmem>>
    %dma_start3A_272 = arith.constant 0 : i32
    %dma_start3A_273 = tpu.memref_slice %arg7[%dma_start3A_272] : memref<106496xf32, #tpu.memory_space<hbm>> -> memref<106496xf32, #tpu.memory_space<hbm>>
    tpu.enqueue_indirect_dma source(%dma_start3A_273 : memref<106496xf32, #tpu.memory_space<hbm>>) target(%dma_start3A_269 : memref<128xf32, #tpu.memory_space<vmem>>) offsets(%dma_start3A_271 : memref<128xi32, #tpu.memory_space<vmem>>) semaphore(%arg24 : memref<!tpu.dma_semaphore, #tpu.memory_space<semaphore_mem>>)
    %dma_start3A_274 = arith.constant 4864 : i32
    %dma_start3A_275 = tpu.memref_slice %arg21[%dma_start3A_274] : memref<5120xf32, #tpu.memory_space<vmem>> -> memref<128xf32, #tpu.memory_space<vmem>>
    %dma_start3A_276 = arith.constant 4864 : i32
    %dma_start3A_277 = tpu.memref_slice %arg20[%dma_start3A_276] : memref<5120xi32, #tpu.memory_space<vmem>> -> memref<128xi32, #tpu.memory_space<vmem>>
    %dma_start3A_278 = arith.constant 0 : i32
    %dma_start3A_279 = tpu.memref_slice %arg7[%dma_start3A_278] : memref<106496xf32, #tpu.memory_space<hbm>> -> memref<106496xf32, #tpu.memory_space<hbm>>
    tpu.enqueue_indirect_dma source(%dma_start3A_279 : memref<106496xf32, #tpu.memory_space<hbm>>) target(%dma_start3A_275 : memref<128xf32, #tpu.memory_space<vmem>>) offsets(%dma_start3A_277 : memref<128xi32, #tpu.memory_space<vmem>>) semaphore(%arg24 : memref<!tpu.dma_semaphore, #tpu.memory_space<semaphore_mem>>)
    %dma_start3A_280 = arith.constant 4992 : i32
    %dma_start3A_281 = tpu.memref_slice %arg21[%dma_start3A_280] : memref<5120xf32, #tpu.memory_space<vmem>> -> memref<128xf32, #tpu.memory_space<vmem>>
    %dma_start3A_282 = arith.constant 4992 : i32
    %dma_start3A_283 = tpu.memref_slice %arg20[%dma_start3A_282] : memref<5120xi32, #tpu.memory_space<vmem>> -> memref<128xi32, #tpu.memory_space<vmem>>
    %dma_start3A_284 = arith.constant 0 : i32
    %dma_start3A_285 = tpu.memref_slice %arg7[%dma_start3A_284] : memref<106496xf32, #tpu.memory_space<hbm>> -> memref<106496xf32, #tpu.memory_space<hbm>>
    tpu.enqueue_indirect_dma source(%dma_start3A_285 : memref<106496xf32, #tpu.memory_space<hbm>>) target(%dma_start3A_281 : memref<128xf32, #tpu.memory_space<vmem>>) offsets(%dma_start3A_283 : memref<128xi32, #tpu.memory_space<vmem>>) semaphore(%arg24 : memref<!tpu.dma_semaphore, #tpu.memory_space<semaphore_mem>>)
    %dma_wait3A = arith.constant 0 : i32
    %dma_wait3A_286 = tpu.memref_slice %arg22[%dma_wait3A] : memref<512xf32, #tpu.memory_space<vmem>> -> memref<128xf32, #tpu.memory_space<vmem>>
    %dma_wait3A_287 = arith.constant 0 : i32
    %dma_wait3A_288 = tpu.memref_slice %arg18[%dma_wait3A_287] : memref<512xi32, #tpu.memory_space<vmem>> -> memref<128xi32, #tpu.memory_space<vmem>>
    %dma_wait3A_289 = arith.constant 0 : i32
    %dma_wait3A_290 = tpu.memref_slice %arg8[%dma_wait3A_289] : memref<106496xf32, #tpu.memory_space<hbm>> -> memref<106496xf32, #tpu.memory_space<hbm>>
    tpu.wait_indirect_dma semaphore(%arg24 : memref<!tpu.dma_semaphore, #tpu.memory_space<semaphore_mem>>) src(%dma_wait3A_290 : memref<106496xf32, #tpu.memory_space<hbm>>) dst(%dma_wait3A_286 : memref<128xf32, #tpu.memory_space<vmem>>)
    %dma_wait3A_291 = arith.constant 128 : i32
    %dma_wait3A_292 = tpu.memref_slice %arg22[%dma_wait3A_291] : memref<512xf32, #tpu.memory_space<vmem>> -> memref<128xf32, #tpu.memory_space<vmem>>
    %dma_wait3A_293 = arith.constant 128 : i32
    %dma_wait3A_294 = tpu.memref_slice %arg18[%dma_wait3A_293] : memref<512xi32, #tpu.memory_space<vmem>> -> memref<128xi32, #tpu.memory_space<vmem>>
    %dma_wait3A_295 = arith.constant 0 : i32
    %dma_wait3A_296 = tpu.memref_slice %arg8[%dma_wait3A_295] : memref<106496xf32, #tpu.memory_space<hbm>> -> memref<106496xf32, #tpu.memory_space<hbm>>
    tpu.wait_indirect_dma semaphore(%arg24 : memref<!tpu.dma_semaphore, #tpu.memory_space<semaphore_mem>>) src(%dma_wait3A_296 : memref<106496xf32, #tpu.memory_space<hbm>>) dst(%dma_wait3A_292 : memref<128xf32, #tpu.memory_space<vmem>>)
    %dma_wait3A_297 = arith.constant 256 : i32
    %dma_wait3A_298 = tpu.memref_slice %arg22[%dma_wait3A_297] : memref<512xf32, #tpu.memory_space<vmem>> -> memref<128xf32, #tpu.memory_space<vmem>>
    %dma_wait3A_299 = arith.constant 256 : i32
    %dma_wait3A_300 = tpu.memref_slice %arg18[%dma_wait3A_299] : memref<512xi32, #tpu.memory_space<vmem>> -> memref<128xi32, #tpu.memory_space<vmem>>
    %dma_wait3A_301 = arith.constant 0 : i32
    %dma_wait3A_302 = tpu.memref_slice %arg8[%dma_wait3A_301] : memref<106496xf32, #tpu.memory_space<hbm>> -> memref<106496xf32, #tpu.memory_space<hbm>>
    tpu.wait_indirect_dma semaphore(%arg24 : memref<!tpu.dma_semaphore, #tpu.memory_space<semaphore_mem>>) src(%dma_wait3A_302 : memref<106496xf32, #tpu.memory_space<hbm>>) dst(%dma_wait3A_298 : memref<128xf32, #tpu.memory_space<vmem>>)
    %dma_wait3A_303 = arith.constant 384 : i32
    %dma_wait3A_304 = tpu.memref_slice %arg22[%dma_wait3A_303] : memref<512xf32, #tpu.memory_space<vmem>> -> memref<128xf32, #tpu.memory_space<vmem>>
    %dma_wait3A_305 = arith.constant 384 : i32
    %dma_wait3A_306 = tpu.memref_slice %arg18[%dma_wait3A_305] : memref<512xi32, #tpu.memory_space<vmem>> -> memref<128xi32, #tpu.memory_space<vmem>>
    %dma_wait3A_307 = arith.constant 0 : i32
    %dma_wait3A_308 = tpu.memref_slice %arg8[%dma_wait3A_307] : memref<106496xf32, #tpu.memory_space<hbm>> -> memref<106496xf32, #tpu.memory_space<hbm>>
    tpu.wait_indirect_dma semaphore(%arg24 : memref<!tpu.dma_semaphore, #tpu.memory_space<semaphore_mem>>) src(%dma_wait3A_308 : memref<106496xf32, #tpu.memory_space<hbm>>) dst(%dma_wait3A_304 : memref<128xf32, #tpu.memory_space<vmem>>)
    %dma_wait3A_309 = arith.constant 0 : i32
    %dma_wait3A_310 = tpu.memref_slice %arg21[%dma_wait3A_309] : memref<5120xf32, #tpu.memory_space<vmem>> -> memref<128xf32, #tpu.memory_space<vmem>>
    %dma_wait3A_311 = arith.constant 0 : i32
    %dma_wait3A_312 = tpu.memref_slice %arg20[%dma_wait3A_311] : memref<5120xi32, #tpu.memory_space<vmem>> -> memref<128xi32, #tpu.memory_space<vmem>>
    %dma_wait3A_313 = arith.constant 0 : i32
    %dma_wait3A_314 = tpu.memref_slice %arg7[%dma_wait3A_313] : memref<106496xf32, #tpu.memory_space<hbm>> -> memref<106496xf32, #tpu.memory_space<hbm>>
    tpu.wait_indirect_dma semaphore(%arg24 : memref<!tpu.dma_semaphore, #tpu.memory_space<semaphore_mem>>) src(%dma_wait3A_314 : memref<106496xf32, #tpu.memory_space<hbm>>) dst(%dma_wait3A_310 : memref<128xf32, #tpu.memory_space<vmem>>)
    %dma_wait3A_315 = arith.constant 128 : i32
    %dma_wait3A_316 = tpu.memref_slice %arg21[%dma_wait3A_315] : memref<5120xf32, #tpu.memory_space<vmem>> -> memref<128xf32, #tpu.memory_space<vmem>>
    %dma_wait3A_317 = arith.constant 128 : i32
    %dma_wait3A_318 = tpu.memref_slice %arg20[%dma_wait3A_317] : memref<5120xi32, #tpu.memory_space<vmem>> -> memref<128xi32, #tpu.memory_space<vmem>>
    %dma_wait3A_319 = arith.constant 0 : i32
    %dma_wait3A_320 = tpu.memref_slice %arg7[%dma_wait3A_319] : memref<106496xf32, #tpu.memory_space<hbm>> -> memref<106496xf32, #tpu.memory_space<hbm>>
    tpu.wait_indirect_dma semaphore(%arg24 : memref<!tpu.dma_semaphore, #tpu.memory_space<semaphore_mem>>) src(%dma_wait3A_320 : memref<106496xf32, #tpu.memory_space<hbm>>) dst(%dma_wait3A_316 : memref<128xf32, #tpu.memory_space<vmem>>)
    %dma_wait3A_321 = arith.constant 256 : i32
    %dma_wait3A_322 = tpu.memref_slice %arg21[%dma_wait3A_321] : memref<5120xf32, #tpu.memory_space<vmem>> -> memref<128xf32, #tpu.memory_space<vmem>>
    %dma_wait3A_323 = arith.constant 256 : i32
    %dma_wait3A_324 = tpu.memref_slice %arg20[%dma_wait3A_323] : memref<5120xi32, #tpu.memory_space<vmem>> -> memref<128xi32, #tpu.memory_space<vmem>>
    %dma_wait3A_325 = arith.constant 0 : i32
    %dma_wait3A_326 = tpu.memref_slice %arg7[%dma_wait3A_325] : memref<106496xf32, #tpu.memory_space<hbm>> -> memref<106496xf32, #tpu.memory_space<hbm>>
    tpu.wait_indirect_dma semaphore(%arg24 : memref<!tpu.dma_semaphore, #tpu.memory_space<semaphore_mem>>) src(%dma_wait3A_326 : memref<106496xf32, #tpu.memory_space<hbm>>) dst(%dma_wait3A_322 : memref<128xf32, #tpu.memory_space<vmem>>)
    %dma_wait3A_327 = arith.constant 384 : i32
    %dma_wait3A_328 = tpu.memref_slice %arg21[%dma_wait3A_327] : memref<5120xf32, #tpu.memory_space<vmem>> -> memref<128xf32, #tpu.memory_space<vmem>>
    %dma_wait3A_329 = arith.constant 384 : i32
    %dma_wait3A_330 = tpu.memref_slice %arg20[%dma_wait3A_329] : memref<5120xi32, #tpu.memory_space<vmem>> -> memref<128xi32, #tpu.memory_space<vmem>>
    %dma_wait3A_331 = arith.constant 0 : i32
    %dma_wait3A_332 = tpu.memref_slice %arg7[%dma_wait3A_331] : memref<106496xf32, #tpu.memory_space<hbm>> -> memref<106496xf32, #tpu.memory_space<hbm>>
    tpu.wait_indirect_dma semaphore(%arg24 : memref<!tpu.dma_semaphore, #tpu.memory_space<semaphore_mem>>) src(%dma_wait3A_332 : memref<106496xf32, #tpu.memory_space<hbm>>) dst(%dma_wait3A_328 : memref<128xf32, #tpu.memory_space<vmem>>)
    %dma_wait3A_333 = arith.constant 512 : i32
    %dma_wait3A_334 = tpu.memref_slice %arg21[%dma_wait3A_333] : memref<5120xf32, #tpu.memory_space<vmem>> -> memref<128xf32, #tpu.memory_space<vmem>>
    %dma_wait3A_335 = arith.constant 512 : i32
    %dma_wait3A_336 = tpu.memref_slice %arg20[%dma_wait3A_335] : memref<5120xi32, #tpu.memory_space<vmem>> -> memref<128xi32, #tpu.memory_space<vmem>>
    %dma_wait3A_337 = arith.constant 0 : i32
    %dma_wait3A_338 = tpu.memref_slice %arg7[%dma_wait3A_337] : memref<106496xf32, #tpu.memory_space<hbm>> -> memref<106496xf32, #tpu.memory_space<hbm>>
    tpu.wait_indirect_dma semaphore(%arg24 : memref<!tpu.dma_semaphore, #tpu.memory_space<semaphore_mem>>) src(%dma_wait3A_338 : memref<106496xf32, #tpu.memory_space<hbm>>) dst(%dma_wait3A_334 : memref<128xf32, #tpu.memory_space<vmem>>)
    %dma_wait3A_339 = arith.constant 640 : i32
    %dma_wait3A_340 = tpu.memref_slice %arg21[%dma_wait3A_339] : memref<5120xf32, #tpu.memory_space<vmem>> -> memref<128xf32, #tpu.memory_space<vmem>>
    %dma_wait3A_341 = arith.constant 640 : i32
    %dma_wait3A_342 = tpu.memref_slice %arg20[%dma_wait3A_341] : memref<5120xi32, #tpu.memory_space<vmem>> -> memref<128xi32, #tpu.memory_space<vmem>>
    %dma_wait3A_343 = arith.constant 0 : i32
    %dma_wait3A_344 = tpu.memref_slice %arg7[%dma_wait3A_343] : memref<106496xf32, #tpu.memory_space<hbm>> -> memref<106496xf32, #tpu.memory_space<hbm>>
    tpu.wait_indirect_dma semaphore(%arg24 : memref<!tpu.dma_semaphore, #tpu.memory_space<semaphore_mem>>) src(%dma_wait3A_344 : memref<106496xf32, #tpu.memory_space<hbm>>) dst(%dma_wait3A_340 : memref<128xf32, #tpu.memory_space<vmem>>)
    %dma_wait3A_345 = arith.constant 768 : i32
    %dma_wait3A_346 = tpu.memref_slice %arg21[%dma_wait3A_345] : memref<5120xf32, #tpu.memory_space<vmem>> -> memref<128xf32, #tpu.memory_space<vmem>>
    %dma_wait3A_347 = arith.constant 768 : i32
    %dma_wait3A_348 = tpu.memref_slice %arg20[%dma_wait3A_347] : memref<5120xi32, #tpu.memory_space<vmem>> -> memref<128xi32, #tpu.memory_space<vmem>>
    %dma_wait3A_349 = arith.constant 0 : i32
    %dma_wait3A_350 = tpu.memref_slice %arg7[%dma_wait3A_349] : memref<106496xf32, #tpu.memory_space<hbm>> -> memref<106496xf32, #tpu.memory_space<hbm>>
    tpu.wait_indirect_dma semaphore(%arg24 : memref<!tpu.dma_semaphore, #tpu.memory_space<semaphore_mem>>) src(%dma_wait3A_350 : memref<106496xf32, #tpu.memory_space<hbm>>) dst(%dma_wait3A_346 : memref<128xf32, #tpu.memory_space<vmem>>)
    %dma_wait3A_351 = arith.constant 896 : i32
    %dma_wait3A_352 = tpu.memref_slice %arg21[%dma_wait3A_351] : memref<5120xf32, #tpu.memory_space<vmem>> -> memref<128xf32, #tpu.memory_space<vmem>>
    %dma_wait3A_353 = arith.constant 896 : i32
    %dma_wait3A_354 = tpu.memref_slice %arg20[%dma_wait3A_353] : memref<5120xi32, #tpu.memory_space<vmem>> -> memref<128xi32, #tpu.memory_space<vmem>>
    %dma_wait3A_355 = arith.constant 0 : i32
    %dma_wait3A_356 = tpu.memref_slice %arg7[%dma_wait3A_355] : memref<106496xf32, #tpu.memory_space<hbm>> -> memref<106496xf32, #tpu.memory_space<hbm>>
    tpu.wait_indirect_dma semaphore(%arg24 : memref<!tpu.dma_semaphore, #tpu.memory_space<semaphore_mem>>) src(%dma_wait3A_356 : memref<106496xf32, #tpu.memory_space<hbm>>) dst(%dma_wait3A_352 : memref<128xf32, #tpu.memory_space<vmem>>)
    %dma_wait3A_357 = arith.constant 1024 : i32
    %dma_wait3A_358 = tpu.memref_slice %arg21[%dma_wait3A_357] : memref<5120xf32, #tpu.memory_space<vmem>> -> memref<128xf32, #tpu.memory_space<vmem>>
    %dma_wait3A_359 = arith.constant 1024 : i32
    %dma_wait3A_360 = tpu.memref_slice %arg20[%dma_wait3A_359] : memref<5120xi32, #tpu.memory_space<vmem>> -> memref<128xi32, #tpu.memory_space<vmem>>
    %dma_wait3A_361 = arith.constant 0 : i32
    %dma_wait3A_362 = tpu.memref_slice %arg7[%dma_wait3A_361] : memref<106496xf32, #tpu.memory_space<hbm>> -> memref<106496xf32, #tpu.memory_space<hbm>>
    tpu.wait_indirect_dma semaphore(%arg24 : memref<!tpu.dma_semaphore, #tpu.memory_space<semaphore_mem>>) src(%dma_wait3A_362 : memref<106496xf32, #tpu.memory_space<hbm>>) dst(%dma_wait3A_358 : memref<128xf32, #tpu.memory_space<vmem>>)
    %dma_wait3A_363 = arith.constant 1152 : i32
    %dma_wait3A_364 = tpu.memref_slice %arg21[%dma_wait3A_363] : memref<5120xf32, #tpu.memory_space<vmem>> -> memref<128xf32, #tpu.memory_space<vmem>>
    %dma_wait3A_365 = arith.constant 1152 : i32
    %dma_wait3A_366 = tpu.memref_slice %arg20[%dma_wait3A_365] : memref<5120xi32, #tpu.memory_space<vmem>> -> memref<128xi32, #tpu.memory_space<vmem>>
    %dma_wait3A_367 = arith.constant 0 : i32
    %dma_wait3A_368 = tpu.memref_slice %arg7[%dma_wait3A_367] : memref<106496xf32, #tpu.memory_space<hbm>> -> memref<106496xf32, #tpu.memory_space<hbm>>
    tpu.wait_indirect_dma semaphore(%arg24 : memref<!tpu.dma_semaphore, #tpu.memory_space<semaphore_mem>>) src(%dma_wait3A_368 : memref<106496xf32, #tpu.memory_space<hbm>>) dst(%dma_wait3A_364 : memref<128xf32, #tpu.memory_space<vmem>>)
    %dma_wait3A_369 = arith.constant 1280 : i32
    %dma_wait3A_370 = tpu.memref_slice %arg21[%dma_wait3A_369] : memref<5120xf32, #tpu.memory_space<vmem>> -> memref<128xf32, #tpu.memory_space<vmem>>
    %dma_wait3A_371 = arith.constant 1280 : i32
    %dma_wait3A_372 = tpu.memref_slice %arg20[%dma_wait3A_371] : memref<5120xi32, #tpu.memory_space<vmem>> -> memref<128xi32, #tpu.memory_space<vmem>>
    %dma_wait3A_373 = arith.constant 0 : i32
    %dma_wait3A_374 = tpu.memref_slice %arg7[%dma_wait3A_373] : memref<106496xf32, #tpu.memory_space<hbm>> -> memref<106496xf32, #tpu.memory_space<hbm>>
    tpu.wait_indirect_dma semaphore(%arg24 : memref<!tpu.dma_semaphore, #tpu.memory_space<semaphore_mem>>) src(%dma_wait3A_374 : memref<106496xf32, #tpu.memory_space<hbm>>) dst(%dma_wait3A_370 : memref<128xf32, #tpu.memory_space<vmem>>)
    %dma_wait3A_375 = arith.constant 1408 : i32
    %dma_wait3A_376 = tpu.memref_slice %arg21[%dma_wait3A_375] : memref<5120xf32, #tpu.memory_space<vmem>> -> memref<128xf32, #tpu.memory_space<vmem>>
    %dma_wait3A_377 = arith.constant 1408 : i32
    %dma_wait3A_378 = tpu.memref_slice %arg20[%dma_wait3A_377] : memref<5120xi32, #tpu.memory_space<vmem>> -> memref<128xi32, #tpu.memory_space<vmem>>
    %dma_wait3A_379 = arith.constant 0 : i32
    %dma_wait3A_380 = tpu.memref_slice %arg7[%dma_wait3A_379] : memref<106496xf32, #tpu.memory_space<hbm>> -> memref<106496xf32, #tpu.memory_space<hbm>>
    tpu.wait_indirect_dma semaphore(%arg24 : memref<!tpu.dma_semaphore, #tpu.memory_space<semaphore_mem>>) src(%dma_wait3A_380 : memref<106496xf32, #tpu.memory_space<hbm>>) dst(%dma_wait3A_376 : memref<128xf32, #tpu.memory_space<vmem>>)
    %dma_wait3A_381 = arith.constant 1536 : i32
    %dma_wait3A_382 = tpu.memref_slice %arg21[%dma_wait3A_381] : memref<5120xf32, #tpu.memory_space<vmem>> -> memref<128xf32, #tpu.memory_space<vmem>>
    %dma_wait3A_383 = arith.constant 1536 : i32
    %dma_wait3A_384 = tpu.memref_slice %arg20[%dma_wait3A_383] : memref<5120xi32, #tpu.memory_space<vmem>> -> memref<128xi32, #tpu.memory_space<vmem>>
    %dma_wait3A_385 = arith.constant 0 : i32
    %dma_wait3A_386 = tpu.memref_slice %arg7[%dma_wait3A_385] : memref<106496xf32, #tpu.memory_space<hbm>> -> memref<106496xf32, #tpu.memory_space<hbm>>
    tpu.wait_indirect_dma semaphore(%arg24 : memref<!tpu.dma_semaphore, #tpu.memory_space<semaphore_mem>>) src(%dma_wait3A_386 : memref<106496xf32, #tpu.memory_space<hbm>>) dst(%dma_wait3A_382 : memref<128xf32, #tpu.memory_space<vmem>>)
    %dma_wait3A_387 = arith.constant 1664 : i32
    %dma_wait3A_388 = tpu.memref_slice %arg21[%dma_wait3A_387] : memref<5120xf32, #tpu.memory_space<vmem>> -> memref<128xf32, #tpu.memory_space<vmem>>
    %dma_wait3A_389 = arith.constant 1664 : i32
    %dma_wait3A_390 = tpu.memref_slice %arg20[%dma_wait3A_389] : memref<5120xi32, #tpu.memory_space<vmem>> -> memref<128xi32, #tpu.memory_space<vmem>>
    %dma_wait3A_391 = arith.constant 0 : i32
    %dma_wait3A_392 = tpu.memref_slice %arg7[%dma_wait3A_391] : memref<106496xf32, #tpu.memory_space<hbm>> -> memref<106496xf32, #tpu.memory_space<hbm>>
    tpu.wait_indirect_dma semaphore(%arg24 : memref<!tpu.dma_semaphore, #tpu.memory_space<semaphore_mem>>) src(%dma_wait3A_392 : memref<106496xf32, #tpu.memory_space<hbm>>) dst(%dma_wait3A_388 : memref<128xf32, #tpu.memory_space<vmem>>)
    %dma_wait3A_393 = arith.constant 1792 : i32
    %dma_wait3A_394 = tpu.memref_slice %arg21[%dma_wait3A_393] : memref<5120xf32, #tpu.memory_space<vmem>> -> memref<128xf32, #tpu.memory_space<vmem>>
    %dma_wait3A_395 = arith.constant 1792 : i32
    %dma_wait3A_396 = tpu.memref_slice %arg20[%dma_wait3A_395] : memref<5120xi32, #tpu.memory_space<vmem>> -> memref<128xi32, #tpu.memory_space<vmem>>
    %dma_wait3A_397 = arith.constant 0 : i32
    %dma_wait3A_398 = tpu.memref_slice %arg7[%dma_wait3A_397] : memref<106496xf32, #tpu.memory_space<hbm>> -> memref<106496xf32, #tpu.memory_space<hbm>>
    tpu.wait_indirect_dma semaphore(%arg24 : memref<!tpu.dma_semaphore, #tpu.memory_space<semaphore_mem>>) src(%dma_wait3A_398 : memref<106496xf32, #tpu.memory_space<hbm>>) dst(%dma_wait3A_394 : memref<128xf32, #tpu.memory_space<vmem>>)
    %dma_wait3A_399 = arith.constant 1920 : i32
    %dma_wait3A_400 = tpu.memref_slice %arg21[%dma_wait3A_399] : memref<5120xf32, #tpu.memory_space<vmem>> -> memref<128xf32, #tpu.memory_space<vmem>>
    %dma_wait3A_401 = arith.constant 1920 : i32
    %dma_wait3A_402 = tpu.memref_slice %arg20[%dma_wait3A_401] : memref<5120xi32, #tpu.memory_space<vmem>> -> memref<128xi32, #tpu.memory_space<vmem>>
    %dma_wait3A_403 = arith.constant 0 : i32
    %dma_wait3A_404 = tpu.memref_slice %arg7[%dma_wait3A_403] : memref<106496xf32, #tpu.memory_space<hbm>> -> memref<106496xf32, #tpu.memory_space<hbm>>
    tpu.wait_indirect_dma semaphore(%arg24 : memref<!tpu.dma_semaphore, #tpu.memory_space<semaphore_mem>>) src(%dma_wait3A_404 : memref<106496xf32, #tpu.memory_space<hbm>>) dst(%dma_wait3A_400 : memref<128xf32, #tpu.memory_space<vmem>>)
    %dma_wait3A_405 = arith.constant 2048 : i32
    %dma_wait3A_406 = tpu.memref_slice %arg21[%dma_wait3A_405] : memref<5120xf32, #tpu.memory_space<vmem>> -> memref<128xf32, #tpu.memory_space<vmem>>
    %dma_wait3A_407 = arith.constant 2048 : i32
    %dma_wait3A_408 = tpu.memref_slice %arg20[%dma_wait3A_407] : memref<5120xi32, #tpu.memory_space<vmem>> -> memref<128xi32, #tpu.memory_space<vmem>>
    %dma_wait3A_409 = arith.constant 0 : i32
    %dma_wait3A_410 = tpu.memref_slice %arg7[%dma_wait3A_409] : memref<106496xf32, #tpu.memory_space<hbm>> -> memref<106496xf32, #tpu.memory_space<hbm>>
    tpu.wait_indirect_dma semaphore(%arg24 : memref<!tpu.dma_semaphore, #tpu.memory_space<semaphore_mem>>) src(%dma_wait3A_410 : memref<106496xf32, #tpu.memory_space<hbm>>) dst(%dma_wait3A_406 : memref<128xf32, #tpu.memory_space<vmem>>)
    %dma_wait3A_411 = arith.constant 2176 : i32
    %dma_wait3A_412 = tpu.memref_slice %arg21[%dma_wait3A_411] : memref<5120xf32, #tpu.memory_space<vmem>> -> memref<128xf32, #tpu.memory_space<vmem>>
    %dma_wait3A_413 = arith.constant 2176 : i32
    %dma_wait3A_414 = tpu.memref_slice %arg20[%dma_wait3A_413] : memref<5120xi32, #tpu.memory_space<vmem>> -> memref<128xi32, #tpu.memory_space<vmem>>
    %dma_wait3A_415 = arith.constant 0 : i32
    %dma_wait3A_416 = tpu.memref_slice %arg7[%dma_wait3A_415] : memref<106496xf32, #tpu.memory_space<hbm>> -> memref<106496xf32, #tpu.memory_space<hbm>>
    tpu.wait_indirect_dma semaphore(%arg24 : memref<!tpu.dma_semaphore, #tpu.memory_space<semaphore_mem>>) src(%dma_wait3A_416 : memref<106496xf32, #tpu.memory_space<hbm>>) dst(%dma_wait3A_412 : memref<128xf32, #tpu.memory_space<vmem>>)
    %dma_wait3A_417 = arith.constant 2304 : i32
    %dma_wait3A_418 = tpu.memref_slice %arg21[%dma_wait3A_417] : memref<5120xf32, #tpu.memory_space<vmem>> -> memref<128xf32, #tpu.memory_space<vmem>>
    %dma_wait3A_419 = arith.constant 2304 : i32
    %dma_wait3A_420 = tpu.memref_slice %arg20[%dma_wait3A_419] : memref<5120xi32, #tpu.memory_space<vmem>> -> memref<128xi32, #tpu.memory_space<vmem>>
    %dma_wait3A_421 = arith.constant 0 : i32
    %dma_wait3A_422 = tpu.memref_slice %arg7[%dma_wait3A_421] : memref<106496xf32, #tpu.memory_space<hbm>> -> memref<106496xf32, #tpu.memory_space<hbm>>
    tpu.wait_indirect_dma semaphore(%arg24 : memref<!tpu.dma_semaphore, #tpu.memory_space<semaphore_mem>>) src(%dma_wait3A_422 : memref<106496xf32, #tpu.memory_space<hbm>>) dst(%dma_wait3A_418 : memref<128xf32, #tpu.memory_space<vmem>>)
    %dma_wait3A_423 = arith.constant 2432 : i32
    %dma_wait3A_424 = tpu.memref_slice %arg21[%dma_wait3A_423] : memref<5120xf32, #tpu.memory_space<vmem>> -> memref<128xf32, #tpu.memory_space<vmem>>
    %dma_wait3A_425 = arith.constant 2432 : i32
    %dma_wait3A_426 = tpu.memref_slice %arg20[%dma_wait3A_425] : memref<5120xi32, #tpu.memory_space<vmem>> -> memref<128xi32, #tpu.memory_space<vmem>>
    %dma_wait3A_427 = arith.constant 0 : i32
    %dma_wait3A_428 = tpu.memref_slice %arg7[%dma_wait3A_427] : memref<106496xf32, #tpu.memory_space<hbm>> -> memref<106496xf32, #tpu.memory_space<hbm>>
    tpu.wait_indirect_dma semaphore(%arg24 : memref<!tpu.dma_semaphore, #tpu.memory_space<semaphore_mem>>) src(%dma_wait3A_428 : memref<106496xf32, #tpu.memory_space<hbm>>) dst(%dma_wait3A_424 : memref<128xf32, #tpu.memory_space<vmem>>)
    %dma_wait3A_429 = arith.constant 2560 : i32
    %dma_wait3A_430 = tpu.memref_slice %arg21[%dma_wait3A_429] : memref<5120xf32, #tpu.memory_space<vmem>> -> memref<128xf32, #tpu.memory_space<vmem>>
    %dma_wait3A_431 = arith.constant 2560 : i32
    %dma_wait3A_432 = tpu.memref_slice %arg20[%dma_wait3A_431] : memref<5120xi32, #tpu.memory_space<vmem>> -> memref<128xi32, #tpu.memory_space<vmem>>
    %dma_wait3A_433 = arith.constant 0 : i32
    %dma_wait3A_434 = tpu.memref_slice %arg7[%dma_wait3A_433] : memref<106496xf32, #tpu.memory_space<hbm>> -> memref<106496xf32, #tpu.memory_space<hbm>>
    tpu.wait_indirect_dma semaphore(%arg24 : memref<!tpu.dma_semaphore, #tpu.memory_space<semaphore_mem>>) src(%dma_wait3A_434 : memref<106496xf32, #tpu.memory_space<hbm>>) dst(%dma_wait3A_430 : memref<128xf32, #tpu.memory_space<vmem>>)
    %dma_wait3A_435 = arith.constant 2688 : i32
    %dma_wait3A_436 = tpu.memref_slice %arg21[%dma_wait3A_435] : memref<5120xf32, #tpu.memory_space<vmem>> -> memref<128xf32, #tpu.memory_space<vmem>>
    %dma_wait3A_437 = arith.constant 2688 : i32
    %dma_wait3A_438 = tpu.memref_slice %arg20[%dma_wait3A_437] : memref<5120xi32, #tpu.memory_space<vmem>> -> memref<128xi32, #tpu.memory_space<vmem>>
    %dma_wait3A_439 = arith.constant 0 : i32
    %dma_wait3A_440 = tpu.memref_slice %arg7[%dma_wait3A_439] : memref<106496xf32, #tpu.memory_space<hbm>> -> memref<106496xf32, #tpu.memory_space<hbm>>
    tpu.wait_indirect_dma semaphore(%arg24 : memref<!tpu.dma_semaphore, #tpu.memory_space<semaphore_mem>>) src(%dma_wait3A_440 : memref<106496xf32, #tpu.memory_space<hbm>>) dst(%dma_wait3A_436 : memref<128xf32, #tpu.memory_space<vmem>>)
    %dma_wait3A_441 = arith.constant 2816 : i32
    %dma_wait3A_442 = tpu.memref_slice %arg21[%dma_wait3A_441] : memref<5120xf32, #tpu.memory_space<vmem>> -> memref<128xf32, #tpu.memory_space<vmem>>
    %dma_wait3A_443 = arith.constant 2816 : i32
    %dma_wait3A_444 = tpu.memref_slice %arg20[%dma_wait3A_443] : memref<5120xi32, #tpu.memory_space<vmem>> -> memref<128xi32, #tpu.memory_space<vmem>>
    %dma_wait3A_445 = arith.constant 0 : i32
    %dma_wait3A_446 = tpu.memref_slice %arg7[%dma_wait3A_445] : memref<106496xf32, #tpu.memory_space<hbm>> -> memref<106496xf32, #tpu.memory_space<hbm>>
    tpu.wait_indirect_dma semaphore(%arg24 : memref<!tpu.dma_semaphore, #tpu.memory_space<semaphore_mem>>) src(%dma_wait3A_446 : memref<106496xf32, #tpu.memory_space<hbm>>) dst(%dma_wait3A_442 : memref<128xf32, #tpu.memory_space<vmem>>)
    %dma_wait3A_447 = arith.constant 2944 : i32
    %dma_wait3A_448 = tpu.memref_slice %arg21[%dma_wait3A_447] : memref<5120xf32, #tpu.memory_space<vmem>> -> memref<128xf32, #tpu.memory_space<vmem>>
    %dma_wait3A_449 = arith.constant 2944 : i32
    %dma_wait3A_450 = tpu.memref_slice %arg20[%dma_wait3A_449] : memref<5120xi32, #tpu.memory_space<vmem>> -> memref<128xi32, #tpu.memory_space<vmem>>
    %dma_wait3A_451 = arith.constant 0 : i32
    %dma_wait3A_452 = tpu.memref_slice %arg7[%dma_wait3A_451] : memref<106496xf32, #tpu.memory_space<hbm>> -> memref<106496xf32, #tpu.memory_space<hbm>>
    tpu.wait_indirect_dma semaphore(%arg24 : memref<!tpu.dma_semaphore, #tpu.memory_space<semaphore_mem>>) src(%dma_wait3A_452 : memref<106496xf32, #tpu.memory_space<hbm>>) dst(%dma_wait3A_448 : memref<128xf32, #tpu.memory_space<vmem>>)
    %dma_wait3A_453 = arith.constant 3072 : i32
    %dma_wait3A_454 = tpu.memref_slice %arg21[%dma_wait3A_453] : memref<5120xf32, #tpu.memory_space<vmem>> -> memref<128xf32, #tpu.memory_space<vmem>>
    %dma_wait3A_455 = arith.constant 3072 : i32
    %dma_wait3A_456 = tpu.memref_slice %arg20[%dma_wait3A_455] : memref<5120xi32, #tpu.memory_space<vmem>> -> memref<128xi32, #tpu.memory_space<vmem>>
    %dma_wait3A_457 = arith.constant 0 : i32
    %dma_wait3A_458 = tpu.memref_slice %arg7[%dma_wait3A_457] : memref<106496xf32, #tpu.memory_space<hbm>> -> memref<106496xf32, #tpu.memory_space<hbm>>
    tpu.wait_indirect_dma semaphore(%arg24 : memref<!tpu.dma_semaphore, #tpu.memory_space<semaphore_mem>>) src(%dma_wait3A_458 : memref<106496xf32, #tpu.memory_space<hbm>>) dst(%dma_wait3A_454 : memref<128xf32, #tpu.memory_space<vmem>>)
    %dma_wait3A_459 = arith.constant 3200 : i32
    %dma_wait3A_460 = tpu.memref_slice %arg21[%dma_wait3A_459] : memref<5120xf32, #tpu.memory_space<vmem>> -> memref<128xf32, #tpu.memory_space<vmem>>
    %dma_wait3A_461 = arith.constant 3200 : i32
    %dma_wait3A_462 = tpu.memref_slice %arg20[%dma_wait3A_461] : memref<5120xi32, #tpu.memory_space<vmem>> -> memref<128xi32, #tpu.memory_space<vmem>>
    %dma_wait3A_463 = arith.constant 0 : i32
    %dma_wait3A_464 = tpu.memref_slice %arg7[%dma_wait3A_463] : memref<106496xf32, #tpu.memory_space<hbm>> -> memref<106496xf32, #tpu.memory_space<hbm>>
    tpu.wait_indirect_dma semaphore(%arg24 : memref<!tpu.dma_semaphore, #tpu.memory_space<semaphore_mem>>) src(%dma_wait3A_464 : memref<106496xf32, #tpu.memory_space<hbm>>) dst(%dma_wait3A_460 : memref<128xf32, #tpu.memory_space<vmem>>)
    %dma_wait3A_465 = arith.constant 3328 : i32
    %dma_wait3A_466 = tpu.memref_slice %arg21[%dma_wait3A_465] : memref<5120xf32, #tpu.memory_space<vmem>> -> memref<128xf32, #tpu.memory_space<vmem>>
    %dma_wait3A_467 = arith.constant 3328 : i32
    %dma_wait3A_468 = tpu.memref_slice %arg20[%dma_wait3A_467] : memref<5120xi32, #tpu.memory_space<vmem>> -> memref<128xi32, #tpu.memory_space<vmem>>
    %dma_wait3A_469 = arith.constant 0 : i32
    %dma_wait3A_470 = tpu.memref_slice %arg7[%dma_wait3A_469] : memref<106496xf32, #tpu.memory_space<hbm>> -> memref<106496xf32, #tpu.memory_space<hbm>>
    tpu.wait_indirect_dma semaphore(%arg24 : memref<!tpu.dma_semaphore, #tpu.memory_space<semaphore_mem>>) src(%dma_wait3A_470 : memref<106496xf32, #tpu.memory_space<hbm>>) dst(%dma_wait3A_466 : memref<128xf32, #tpu.memory_space<vmem>>)
    %dma_wait3A_471 = arith.constant 3456 : i32
    %dma_wait3A_472 = tpu.memref_slice %arg21[%dma_wait3A_471] : memref<5120xf32, #tpu.memory_space<vmem>> -> memref<128xf32, #tpu.memory_space<vmem>>
    %dma_wait3A_473 = arith.constant 3456 : i32
    %dma_wait3A_474 = tpu.memref_slice %arg20[%dma_wait3A_473] : memref<5120xi32, #tpu.memory_space<vmem>> -> memref<128xi32, #tpu.memory_space<vmem>>
    %dma_wait3A_475 = arith.constant 0 : i32
    %dma_wait3A_476 = tpu.memref_slice %arg7[%dma_wait3A_475] : memref<106496xf32, #tpu.memory_space<hbm>> -> memref<106496xf32, #tpu.memory_space<hbm>>
    tpu.wait_indirect_dma semaphore(%arg24 : memref<!tpu.dma_semaphore, #tpu.memory_space<semaphore_mem>>) src(%dma_wait3A_476 : memref<106496xf32, #tpu.memory_space<hbm>>) dst(%dma_wait3A_472 : memref<128xf32, #tpu.memory_space<vmem>>)
    %dma_wait3A_477 = arith.constant 3584 : i32
    %dma_wait3A_478 = tpu.memref_slice %arg21[%dma_wait3A_477] : memref<5120xf32, #tpu.memory_space<vmem>> -> memref<128xf32, #tpu.memory_space<vmem>>
    %dma_wait3A_479 = arith.constant 3584 : i32
    %dma_wait3A_480 = tpu.memref_slice %arg20[%dma_wait3A_479] : memref<5120xi32, #tpu.memory_space<vmem>> -> memref<128xi32, #tpu.memory_space<vmem>>
    %dma_wait3A_481 = arith.constant 0 : i32
    %dma_wait3A_482 = tpu.memref_slice %arg7[%dma_wait3A_481] : memref<106496xf32, #tpu.memory_space<hbm>> -> memref<106496xf32, #tpu.memory_space<hbm>>
    tpu.wait_indirect_dma semaphore(%arg24 : memref<!tpu.dma_semaphore, #tpu.memory_space<semaphore_mem>>) src(%dma_wait3A_482 : memref<106496xf32, #tpu.memory_space<hbm>>) dst(%dma_wait3A_478 : memref<128xf32, #tpu.memory_space<vmem>>)
    %dma_wait3A_483 = arith.constant 3712 : i32
    %dma_wait3A_484 = tpu.memref_slice %arg21[%dma_wait3A_483] : memref<5120xf32, #tpu.memory_space<vmem>> -> memref<128xf32, #tpu.memory_space<vmem>>
    %dma_wait3A_485 = arith.constant 3712 : i32
    %dma_wait3A_486 = tpu.memref_slice %arg20[%dma_wait3A_485] : memref<5120xi32, #tpu.memory_space<vmem>> -> memref<128xi32, #tpu.memory_space<vmem>>
    %dma_wait3A_487 = arith.constant 0 : i32
    %dma_wait3A_488 = tpu.memref_slice %arg7[%dma_wait3A_487] : memref<106496xf32, #tpu.memory_space<hbm>> -> memref<106496xf32, #tpu.memory_space<hbm>>
    tpu.wait_indirect_dma semaphore(%arg24 : memref<!tpu.dma_semaphore, #tpu.memory_space<semaphore_mem>>) src(%dma_wait3A_488 : memref<106496xf32, #tpu.memory_space<hbm>>) dst(%dma_wait3A_484 : memref<128xf32, #tpu.memory_space<vmem>>)
    %dma_wait3A_489 = arith.constant 3840 : i32
    %dma_wait3A_490 = tpu.memref_slice %arg21[%dma_wait3A_489] : memref<5120xf32, #tpu.memory_space<vmem>> -> memref<128xf32, #tpu.memory_space<vmem>>
    %dma_wait3A_491 = arith.constant 3840 : i32
    %dma_wait3A_492 = tpu.memref_slice %arg20[%dma_wait3A_491] : memref<5120xi32, #tpu.memory_space<vmem>> -> memref<128xi32, #tpu.memory_space<vmem>>
    %dma_wait3A_493 = arith.constant 0 : i32
    %dma_wait3A_494 = tpu.memref_slice %arg7[%dma_wait3A_493] : memref<106496xf32, #tpu.memory_space<hbm>> -> memref<106496xf32, #tpu.memory_space<hbm>>
    tpu.wait_indirect_dma semaphore(%arg24 : memref<!tpu.dma_semaphore, #tpu.memory_space<semaphore_mem>>) src(%dma_wait3A_494 : memref<106496xf32, #tpu.memory_space<hbm>>) dst(%dma_wait3A_490 : memref<128xf32, #tpu.memory_space<vmem>>)
    %dma_wait3A_495 = arith.constant 3968 : i32
    %dma_wait3A_496 = tpu.memref_slice %arg21[%dma_wait3A_495] : memref<5120xf32, #tpu.memory_space<vmem>> -> memref<128xf32, #tpu.memory_space<vmem>>
    %dma_wait3A_497 = arith.constant 3968 : i32
    %dma_wait3A_498 = tpu.memref_slice %arg20[%dma_wait3A_497] : memref<5120xi32, #tpu.memory_space<vmem>> -> memref<128xi32, #tpu.memory_space<vmem>>
    %dma_wait3A_499 = arith.constant 0 : i32
    %dma_wait3A_500 = tpu.memref_slice %arg7[%dma_wait3A_499] : memref<106496xf32, #tpu.memory_space<hbm>> -> memref<106496xf32, #tpu.memory_space<hbm>>
    tpu.wait_indirect_dma semaphore(%arg24 : memref<!tpu.dma_semaphore, #tpu.memory_space<semaphore_mem>>) src(%dma_wait3A_500 : memref<106496xf32, #tpu.memory_space<hbm>>) dst(%dma_wait3A_496 : memref<128xf32, #tpu.memory_space<vmem>>)
    %dma_wait3A_501 = arith.constant 4096 : i32
    %dma_wait3A_502 = tpu.memref_slice %arg21[%dma_wait3A_501] : memref<5120xf32, #tpu.memory_space<vmem>> -> memref<128xf32, #tpu.memory_space<vmem>>
    %dma_wait3A_503 = arith.constant 4096 : i32
    %dma_wait3A_504 = tpu.memref_slice %arg20[%dma_wait3A_503] : memref<5120xi32, #tpu.memory_space<vmem>> -> memref<128xi32, #tpu.memory_space<vmem>>
    %dma_wait3A_505 = arith.constant 0 : i32
    %dma_wait3A_506 = tpu.memref_slice %arg7[%dma_wait3A_505] : memref<106496xf32, #tpu.memory_space<hbm>> -> memref<106496xf32, #tpu.memory_space<hbm>>
    tpu.wait_indirect_dma semaphore(%arg24 : memref<!tpu.dma_semaphore, #tpu.memory_space<semaphore_mem>>) src(%dma_wait3A_506 : memref<106496xf32, #tpu.memory_space<hbm>>) dst(%dma_wait3A_502 : memref<128xf32, #tpu.memory_space<vmem>>)
    %dma_wait3A_507 = arith.constant 4224 : i32
    %dma_wait3A_508 = tpu.memref_slice %arg21[%dma_wait3A_507] : memref<5120xf32, #tpu.memory_space<vmem>> -> memref<128xf32, #tpu.memory_space<vmem>>
    %dma_wait3A_509 = arith.constant 4224 : i32
    %dma_wait3A_510 = tpu.memref_slice %arg20[%dma_wait3A_509] : memref<5120xi32, #tpu.memory_space<vmem>> -> memref<128xi32, #tpu.memory_space<vmem>>
    %dma_wait3A_511 = arith.constant 0 : i32
    %dma_wait3A_512 = tpu.memref_slice %arg7[%dma_wait3A_511] : memref<106496xf32, #tpu.memory_space<hbm>> -> memref<106496xf32, #tpu.memory_space<hbm>>
    tpu.wait_indirect_dma semaphore(%arg24 : memref<!tpu.dma_semaphore, #tpu.memory_space<semaphore_mem>>) src(%dma_wait3A_512 : memref<106496xf32, #tpu.memory_space<hbm>>) dst(%dma_wait3A_508 : memref<128xf32, #tpu.memory_space<vmem>>)
    %dma_wait3A_513 = arith.constant 4352 : i32
    %dma_wait3A_514 = tpu.memref_slice %arg21[%dma_wait3A_513] : memref<5120xf32, #tpu.memory_space<vmem>> -> memref<128xf32, #tpu.memory_space<vmem>>
    %dma_wait3A_515 = arith.constant 4352 : i32
    %dma_wait3A_516 = tpu.memref_slice %arg20[%dma_wait3A_515] : memref<5120xi32, #tpu.memory_space<vmem>> -> memref<128xi32, #tpu.memory_space<vmem>>
    %dma_wait3A_517 = arith.constant 0 : i32
    %dma_wait3A_518 = tpu.memref_slice %arg7[%dma_wait3A_517] : memref<106496xf32, #tpu.memory_space<hbm>> -> memref<106496xf32, #tpu.memory_space<hbm>>
    tpu.wait_indirect_dma semaphore(%arg24 : memref<!tpu.dma_semaphore, #tpu.memory_space<semaphore_mem>>) src(%dma_wait3A_518 : memref<106496xf32, #tpu.memory_space<hbm>>) dst(%dma_wait3A_514 : memref<128xf32, #tpu.memory_space<vmem>>)
    %dma_wait3A_519 = arith.constant 4480 : i32
    %dma_wait3A_520 = tpu.memref_slice %arg21[%dma_wait3A_519] : memref<5120xf32, #tpu.memory_space<vmem>> -> memref<128xf32, #tpu.memory_space<vmem>>
    %dma_wait3A_521 = arith.constant 4480 : i32
    %dma_wait3A_522 = tpu.memref_slice %arg20[%dma_wait3A_521] : memref<5120xi32, #tpu.memory_space<vmem>> -> memref<128xi32, #tpu.memory_space<vmem>>
    %dma_wait3A_523 = arith.constant 0 : i32
    %dma_wait3A_524 = tpu.memref_slice %arg7[%dma_wait3A_523] : memref<106496xf32, #tpu.memory_space<hbm>> -> memref<106496xf32, #tpu.memory_space<hbm>>
    tpu.wait_indirect_dma semaphore(%arg24 : memref<!tpu.dma_semaphore, #tpu.memory_space<semaphore_mem>>) src(%dma_wait3A_524 : memref<106496xf32, #tpu.memory_space<hbm>>) dst(%dma_wait3A_520 : memref<128xf32, #tpu.memory_space<vmem>>)
    %dma_wait3A_525 = arith.constant 4608 : i32
    %dma_wait3A_526 = tpu.memref_slice %arg21[%dma_wait3A_525] : memref<5120xf32, #tpu.memory_space<vmem>> -> memref<128xf32, #tpu.memory_space<vmem>>
    %dma_wait3A_527 = arith.constant 4608 : i32
    %dma_wait3A_528 = tpu.memref_slice %arg20[%dma_wait3A_527] : memref<5120xi32, #tpu.memory_space<vmem>> -> memref<128xi32, #tpu.memory_space<vmem>>
    %dma_wait3A_529 = arith.constant 0 : i32
    %dma_wait3A_530 = tpu.memref_slice %arg7[%dma_wait3A_529] : memref<106496xf32, #tpu.memory_space<hbm>> -> memref<106496xf32, #tpu.memory_space<hbm>>
    tpu.wait_indirect_dma semaphore(%arg24 : memref<!tpu.dma_semaphore, #tpu.memory_space<semaphore_mem>>) src(%dma_wait3A_530 : memref<106496xf32, #tpu.memory_space<hbm>>) dst(%dma_wait3A_526 : memref<128xf32, #tpu.memory_space<vmem>>)
    %dma_wait3A_531 = arith.constant 4736 : i32
    %dma_wait3A_532 = tpu.memref_slice %arg21[%dma_wait3A_531] : memref<5120xf32, #tpu.memory_space<vmem>> -> memref<128xf32, #tpu.memory_space<vmem>>
    %dma_wait3A_533 = arith.constant 4736 : i32
    %dma_wait3A_534 = tpu.memref_slice %arg20[%dma_wait3A_533] : memref<5120xi32, #tpu.memory_space<vmem>> -> memref<128xi32, #tpu.memory_space<vmem>>
    %dma_wait3A_535 = arith.constant 0 : i32
    %dma_wait3A_536 = tpu.memref_slice %arg7[%dma_wait3A_535] : memref<106496xf32, #tpu.memory_space<hbm>> -> memref<106496xf32, #tpu.memory_space<hbm>>
    tpu.wait_indirect_dma semaphore(%arg24 : memref<!tpu.dma_semaphore, #tpu.memory_space<semaphore_mem>>) src(%dma_wait3A_536 : memref<106496xf32, #tpu.memory_space<hbm>>) dst(%dma_wait3A_532 : memref<128xf32, #tpu.memory_space<vmem>>)
    %dma_wait3A_537 = arith.constant 4864 : i32
    %dma_wait3A_538 = tpu.memref_slice %arg21[%dma_wait3A_537] : memref<5120xf32, #tpu.memory_space<vmem>> -> memref<128xf32, #tpu.memory_space<vmem>>
    %dma_wait3A_539 = arith.constant 4864 : i32
    %dma_wait3A_540 = tpu.memref_slice %arg20[%dma_wait3A_539] : memref<5120xi32, #tpu.memory_space<vmem>> -> memref<128xi32, #tpu.memory_space<vmem>>
    %dma_wait3A_541 = arith.constant 0 : i32
    %dma_wait3A_542 = tpu.memref_slice %arg7[%dma_wait3A_541] : memref<106496xf32, #tpu.memory_space<hbm>> -> memref<106496xf32, #tpu.memory_space<hbm>>
    tpu.wait_indirect_dma semaphore(%arg24 : memref<!tpu.dma_semaphore, #tpu.memory_space<semaphore_mem>>) src(%dma_wait3A_542 : memref<106496xf32, #tpu.memory_space<hbm>>) dst(%dma_wait3A_538 : memref<128xf32, #tpu.memory_space<vmem>>)
    %dma_wait3A_543 = arith.constant 4992 : i32
    %dma_wait3A_544 = tpu.memref_slice %arg21[%dma_wait3A_543] : memref<5120xf32, #tpu.memory_space<vmem>> -> memref<128xf32, #tpu.memory_space<vmem>>
    %dma_wait3A_545 = arith.constant 4992 : i32
    %dma_wait3A_546 = tpu.memref_slice %arg20[%dma_wait3A_545] : memref<5120xi32, #tpu.memory_space<vmem>> -> memref<128xi32, #tpu.memory_space<vmem>>
    %dma_wait3A_547 = arith.constant 0 : i32
    %dma_wait3A_548 = tpu.memref_slice %arg7[%dma_wait3A_547] : memref<106496xf32, #tpu.memory_space<hbm>> -> memref<106496xf32, #tpu.memory_space<hbm>>
    tpu.wait_indirect_dma semaphore(%arg24 : memref<!tpu.dma_semaphore, #tpu.memory_space<semaphore_mem>>) src(%dma_wait3A_548 : memref<106496xf32, #tpu.memory_space<hbm>>) dst(%dma_wait3A_544 : memref<128xf32, #tpu.memory_space<vmem>>)
    %get3A = arith.constant 320 : index
    %get3A_549 = tpu.vector_load %arg13[%get3A] {strides = array<i32>} : memref<336xf32, #tpu.memory_space<vmem>>, vector<16xf32>,
    %slice3A = vector.extract_strided_slice %get3A_549 {offsets = [0], sizes = [1], strides = [1]} : vector<16xf32> to vector<1xf32>
    %squeeze3A = vector.extract %slice3A[0] : f32 from vector<1xf32>
    %slice3A_550 = vector.extract_strided_slice %get3A_549 {offsets = [1], sizes = [1], strides = [1]} : vector<16xf32> to vector<1xf32>
    %squeeze3A_551 = vector.extract %slice3A_550[0] : f32 from vector<1xf32>
    %scan3A = arith.constant 0 : i32
    %scan3A_552 = arith.constant 0 : i32
    %scan3A_553 = arith.constant 32 : i32
    %scan3A_554 = arith.addi %scan3A_552, %scan3A_553 : i32
    %scan3A_555 = arith.constant 1 : i32
    %scan3A_556 = scf.for %scan3A_558 = %scan3A_552 to %scan3A_554 step %scan3A_555 iter_args(%scan3A_559 = %scan3A) -> (i32)  : i32 {
      %mul3A_560 = arith.constant 16 : i32
      %mul3A_561 = arith.muli %scan3A_558, %mul3A_560 : i32
      %get3A_562 = arith.index_cast %mul3A_561 : i32 to index
      %get3A_563 = tpu.vector_load %arg16[%get3A_562] {strides = array<i32>} : memref<512xi32, #tpu.memory_space<vmem>>, vector<16xi32>,
      %gather3A = tpu.vector_load_idx %arg14[%get3A_563] : memref<128xf32, #tpu.memory_space<vmem>>[vector<16xi32>], vector<16xf32>,
      %get3A_564 = arith.index_cast %mul3A_561 : i32 to index
      %get3A_565 = tpu.vector_load %arg17[%get3A_564] {strides = array<i32>} : memref<512xi32, #tpu.memory_space<vmem>>, vector<16xi32>,
      %gather3A_566 = tpu.vector_load_idx %arg15[%get3A_565] : memref<128xf32, #tpu.memory_space<vmem>>[vector<16xi32>], vector<16xf32>,
      %add3A_567 = arith.addf %gather3A, %gather3A_566 : vector<16xf32>
      %get3A_568 = arith.index_cast %mul3A_561 : i32 to index
      %get3A_569 = tpu.vector_load %arg22[%get3A_568] {strides = array<i32>} : memref<512xf32, #tpu.memory_space<vmem>>, vector<16xf32>,
      %add3A_570 = arith.addf %add3A_567, %get3A_569 : vector<16xf32>
      %add3A_571 = arith.constant 0 : i32
      %add3A_572 = arith.addi %add3A_571, %mul3A_561 : i32
      %get3A_573 = arith.index_cast %add3A_572 : i32 to index
      %get3A_574 = tpu.vector_load %arg21[%get3A_573] {strides = array<i32>} : memref<5120xf32, #tpu.memory_space<vmem>>, vector<16xf32>,
      %add3A_575 = arith.addf %add3A_570, %get3A_574 : vector<16xf32>
      %add3A_576 = arith.constant 512 : i32
      %add3A_577 = arith.addi %add3A_576, %mul3A_561 : i32
      %get3A_578 = arith.index_cast %add3A_577 : i32 to index
      %get3A_579 = tpu.vector_load %arg21[%get3A_578] {strides = array<i32>} : memref<5120xf32, #tpu.memory_space<vmem>>, vector<16xf32>,
      %add3A_580 = arith.addf %add3A_575, %get3A_579 : vector<16xf32>
      %add3A_581 = arith.constant 1024 : i32
      %add3A_582 = arith.addi %add3A_581, %mul3A_561 : i32
      %get3A_583 = arith.index_cast %add3A_582 : i32 to index
      %get3A_584 = tpu.vector_load %arg21[%get3A_583] {strides = array<i32>} : memref<5120xf32, #tpu.memory_space<vmem>>, vector<16xf32>,
      %add3A_585 = arith.addf %add3A_580, %get3A_584 : vector<16xf32>
      %add3A_586 = arith.constant 1536 : i32
      %add3A_587 = arith.addi %add3A_586, %mul3A_561 : i32
      %get3A_588 = arith.index_cast %add3A_587 : i32 to index
      %get3A_589 = tpu.vector_load %arg21[%get3A_588] {strides = array<i32>} : memref<5120xf32, #tpu.memory_space<vmem>>, vector<16xf32>,
      %add3A_590 = arith.addf %add3A_585, %get3A_589 : vector<16xf32>
      %add3A_591 = arith.constant 2048 : i32
      %add3A_592 = arith.addi %add3A_591, %mul3A_561 : i32
      %get3A_593 = arith.index_cast %add3A_592 : i32 to index
      %get3A_594 = tpu.vector_load %arg21[%get3A_593] {strides = array<i32>} : memref<5120xf32, #tpu.memory_space<vmem>>, vector<16xf32>,
      %add3A_595 = arith.addf %add3A_590, %get3A_594 : vector<16xf32>
      %add3A_596 = arith.constant 2560 : i32
      %add3A_597 = arith.addi %add3A_596, %mul3A_561 : i32
      %get3A_598 = arith.index_cast %add3A_597 : i32 to index
      %get3A_599 = tpu.vector_load %arg21[%get3A_598] {strides = array<i32>} : memref<5120xf32, #tpu.memory_space<vmem>>, vector<16xf32>,
      %add3A_600 = arith.addf %add3A_595, %get3A_599 : vector<16xf32>
      %add3A_601 = arith.constant 3072 : i32
      %add3A_602 = arith.addi %add3A_601, %mul3A_561 : i32
      %get3A_603 = arith.index_cast %add3A_602 : i32 to index
      %get3A_604 = tpu.vector_load %arg21[%get3A_603] {strides = array<i32>} : memref<5120xf32, #tpu.memory_space<vmem>>, vector<16xf32>,
      %add3A_605 = arith.addf %add3A_600, %get3A_604 : vector<16xf32>
      %add3A_606 = arith.constant 3584 : i32
      %add3A_607 = arith.addi %add3A_606, %mul3A_561 : i32
      %get3A_608 = arith.index_cast %add3A_607 : i32 to index
      %get3A_609 = tpu.vector_load %arg21[%get3A_608] {strides = array<i32>} : memref<5120xf32, #tpu.memory_space<vmem>>, vector<16xf32>,
      %add3A_610 = arith.addf %add3A_605, %get3A_609 : vector<16xf32>
      %add3A_611 = arith.constant 4096 : i32
      %add3A_612 = arith.addi %add3A_611, %mul3A_561 : i32
      %get3A_613 = arith.index_cast %add3A_612 : i32 to index
      %get3A_614 = tpu.vector_load %arg21[%get3A_613] {strides = array<i32>} : memref<5120xf32, #tpu.memory_space<vmem>>, vector<16xf32>,
      %add3A_615 = arith.addf %add3A_610, %get3A_614 : vector<16xf32>
      %add3A_616 = arith.constant 4608 : i32
      %add3A_617 = arith.addi %add3A_616, %mul3A_561 : i32
      %get3A_618 = arith.index_cast %add3A_617 : i32 to index
      %get3A_619 = tpu.vector_load %arg21[%get3A_618] {strides = array<i32>} : memref<5120xf32, #tpu.memory_space<vmem>>, vector<16xf32>,
      %add3A_620 = arith.addf %add3A_615, %get3A_619 : vector<16xf32>
      %get3A_621 = arith.index_cast %mul3A_561 : i32 to index
      %get3A_622 = tpu.vector_load %arg19[%get3A_621] {strides = array<i32>} : memref<512xf32, #tpu.memory_space<vmem>>, vector<16xf32>,
      %mul3A_623 = vector.broadcast %squeeze3A : f32 to vector<16xf32>
      %mul3A_624 = arith.mulf %get3A_622, %mul3A_623 : vector<16xf32>
      %add3A_625 = arith.addf %add3A_620, %mul3A_624 : vector<16xf32>
      %add3A_626 = vector.broadcast %squeeze3A_551 : f32 to vector<16xf32>
      %add3A_627 = arith.addf %add3A_625, %add3A_626 : vector<16xf32>
      %swap3A = arith.index_cast %mul3A_561 : i32 to index
      %swap3A_628 = tpu.vector_load %arg23[%swap3A] {strides = array<i32>} : memref<512xf32, #tpu.memory_space<vmem>>, vector<16xf32>,
      tpu.vector_store %arg23[%swap3A], %add3A_627 {strides = array<i32>} : memref<512xf32, #tpu.memory_space<vmem>>, vector<16xf32>,
      %scan3A_629 = arith.constant 0 : i32
      scf.yield %scan3A_629 : i32
    }
    %scan3A_557 = arith.constant 32 : i32
    "tpu.region"() ({
      %run_scoped3A = tpu.sem_alloc : memref<!tpu.dma_semaphore, #tpu.memory_space<semaphore_mem>>
      %dma_start3A_558 = tpu.memref_slice %arg12[%mul3A_2] : memref<16384xf32, #tpu.memory_space<hbm>> -> memref<512xf32, #tpu.memory_space<hbm>>
      %dma_start3A_559 = tpu.memref_slice %arg12[%mul3A_2] : memref<16384xf32, #tpu.memory_space<hbm>> -> memref<512xf32, #tpu.memory_space<hbm>>
      tpu.enqueue_dma source(%arg23 : memref<512xf32, #tpu.memory_space<vmem>>) target(%dma_start3A_559 : memref<512xf32, #tpu.memory_space<hbm>>) target_semaphore(%run_scoped3A : memref<!tpu.dma_semaphore, #tpu.memory_space<semaphore_mem>>)
      %dma_wait3A_560 = tpu.memref_slice %arg12[%mul3A_2] : memref<16384xf32, #tpu.memory_space<hbm>> -> memref<512xf32, #tpu.memory_space<hbm>>
      %dma_wait3A_561 = tpu.memref_slice %arg12[%mul3A_2] : memref<16384xf32, #tpu.memory_space<hbm>> -> memref<512xf32, #tpu.memory_space<hbm>>
      tpu.wait_dma2 semaphore(%run_scoped3A : memref<!tpu.dma_semaphore, #tpu.memory_space<semaphore_mem>>) src(%arg23 : memref<512xf32, #tpu.memory_space<vmem>>) dst(%dma_wait3A_561 : memref<512xf32, #tpu.memory_space<hbm>>)
      tpu.yield
    }) : () -> ()
    return
  }
}

#map = affine_map<(d0, d1) -> (0)>
module attributes {stable_mosaic.version = 14 : i64} {
  func.func @_sc_b_body(%arg0: i32, %arg1: i32, %arg2: memref<16384xi32, #tpu.memory_space<hbm>>, %arg3: memref<16384xf32, #tpu.memory_space<hbm>>, %arg4: memref<1048576xf32, #tpu.memory_space<hbm>>, %arg5: memref<16384xf32, #tpu.memory_space<hbm>>, %arg6: memref<512xi32, #tpu.memory_space<vmem>>, %arg7: memref<512xf32, #tpu.memory_space<vmem>>, %arg8: memref<512xf32, #tpu.memory_space<vmem>>, %arg9: memref<!tpu.dma_semaphore, #tpu.memory_space<semaphore_mem>>) attributes {dimension_semantics = [#tpu.dimension_semantics<core_parallel>, #tpu.dimension_semantics<subcore_parallel>], iteration_bounds = array<i64: 2, 16>, scalar_prefetch = 0 : i64, scratch_operands = 4 : i64, tpu.core_type = #tpu.core_type<sc_vector_subcore>, window_params = [{transform_indices = #map}, {transform_indices = #map}, {transform_indices = #map}, {transform_indices = #map}]} {
    %mul3A = arith.constant 2 : i32
    %mul3A_0 = arith.muli %arg1, %mul3A : i32
    %add3A = arith.addi %mul3A_0, %arg0 : i32
    %mul3A_1 = arith.constant 512 : i32
    %mul3A_2 = arith.muli %add3A, %mul3A_1 : i32
    "tpu.region"() ({
      %run_scoped3A = tpu.sem_alloc : memref<!tpu.dma_semaphore, #tpu.memory_space<semaphore_mem>>
      %dma_start3A_55 = tpu.memref_slice %arg2[%mul3A_2] : memref<16384xi32, #tpu.memory_space<hbm>> -> memref<512xi32, #tpu.memory_space<hbm>>
      %dma_start3A_56 = tpu.memref_slice %arg2[%mul3A_2] : memref<16384xi32, #tpu.memory_space<hbm>> -> memref<512xi32, #tpu.memory_space<hbm>>
      tpu.enqueue_dma source(%dma_start3A_56 : memref<512xi32, #tpu.memory_space<hbm>>) target(%arg6 : memref<512xi32, #tpu.memory_space<vmem>>) target_semaphore(%run_scoped3A : memref<!tpu.dma_semaphore, #tpu.memory_space<semaphore_mem>>)
      %dma_wait3A_57 = tpu.memref_slice %arg2[%mul3A_2] : memref<16384xi32, #tpu.memory_space<hbm>> -> memref<512xi32, #tpu.memory_space<hbm>>
      %dma_wait3A_58 = tpu.memref_slice %arg2[%mul3A_2] : memref<16384xi32, #tpu.memory_space<hbm>> -> memref<512xi32, #tpu.memory_space<hbm>>
      tpu.wait_dma2 semaphore(%run_scoped3A : memref<!tpu.dma_semaphore, #tpu.memory_space<semaphore_mem>>) src(%dma_wait3A_58 : memref<512xi32, #tpu.memory_space<hbm>>) dst(%arg6 : memref<512xi32, #tpu.memory_space<vmem>>)
      tpu.yield
    }) : () -> ()
    "tpu.region"() ({
      %run_scoped3A = tpu.sem_alloc : memref<!tpu.dma_semaphore, #tpu.memory_space<semaphore_mem>>
      %dma_start3A_55 = tpu.memref_slice %arg3[%mul3A_2] : memref<16384xf32, #tpu.memory_space<hbm>> -> memref<512xf32, #tpu.memory_space<hbm>>
      %dma_start3A_56 = tpu.memref_slice %arg3[%mul3A_2] : memref<16384xf32, #tpu.memory_space<hbm>> -> memref<512xf32, #tpu.memory_space<hbm>>
      tpu.enqueue_dma source(%dma_start3A_56 : memref<512xf32, #tpu.memory_space<hbm>>) target(%arg7 : memref<512xf32, #tpu.memory_space<vmem>>) target_semaphore(%run_scoped3A : memref<!tpu.dma_semaphore, #tpu.memory_space<semaphore_mem>>)
      %dma_wait3A_57 = tpu.memref_slice %arg3[%mul3A_2] : memref<16384xf32, #tpu.memory_space<hbm>> -> memref<512xf32, #tpu.memory_space<hbm>>
      %dma_wait3A_58 = tpu.memref_slice %arg3[%mul3A_2] : memref<16384xf32, #tpu.memory_space<hbm>> -> memref<512xf32, #tpu.memory_space<hbm>>
      tpu.wait_dma2 semaphore(%run_scoped3A : memref<!tpu.dma_semaphore, #tpu.memory_space<semaphore_mem>>) src(%dma_wait3A_58 : memref<512xf32, #tpu.memory_space<hbm>>) dst(%arg7 : memref<512xf32, #tpu.memory_space<vmem>>)
      tpu.yield
    }) : () -> ()
    %dma_start3A = arith.constant 0 : i32
    %dma_start3A_3 = tpu.memref_slice %arg8[%dma_start3A] : memref<512xf32, #tpu.memory_space<vmem>> -> memref<128xf32, #tpu.memory_space<vmem>>
    %dma_start3A_4 = arith.constant 0 : i32
    %dma_start3A_5 = tpu.memref_slice %arg6[%dma_start3A_4] : memref<512xi32, #tpu.memory_space<vmem>> -> memref<128xi32, #tpu.memory_space<vmem>>
    %dma_start3A_6 = arith.constant 0 : i32
    %dma_start3A_7 = tpu.memref_slice %arg4[%dma_start3A_6] : memref<1048576xf32, #tpu.memory_space<hbm>> -> memref<1048576xf32, #tpu.memory_space<hbm>>
    tpu.enqueue_indirect_dma source(%dma_start3A_7 : memref<1048576xf32, #tpu.memory_space<hbm>>) target(%dma_start3A_3 : memref<128xf32, #tpu.memory_space<vmem>>) offsets(%dma_start3A_5 : memref<128xi32, #tpu.memory_space<vmem>>) semaphore(%arg9 : memref<!tpu.dma_semaphore, #tpu.memory_space<semaphore_mem>>)
    %dma_start3A_8 = arith.constant 128 : i32
    %dma_start3A_9 = tpu.memref_slice %arg8[%dma_start3A_8] : memref<512xf32, #tpu.memory_space<vmem>> -> memref<128xf32, #tpu.memory_space<vmem>>
    %dma_start3A_10 = arith.constant 128 : i32
    %dma_start3A_11 = tpu.memref_slice %arg6[%dma_start3A_10] : memref<512xi32, #tpu.memory_space<vmem>> -> memref<128xi32, #tpu.memory_space<vmem>>
    %dma_start3A_12 = arith.constant 0 : i32
    %dma_start3A_13 = tpu.memref_slice %arg4[%dma_start3A_12] : memref<1048576xf32, #tpu.memory_space<hbm>> -> memref<1048576xf32, #tpu.memory_space<hbm>>
    tpu.enqueue_indirect_dma source(%dma_start3A_13 : memref<1048576xf32, #tpu.memory_space<hbm>>) target(%dma_start3A_9 : memref<128xf32, #tpu.memory_space<vmem>>) offsets(%dma_start3A_11 : memref<128xi32, #tpu.memory_space<vmem>>) semaphore(%arg9 : memref<!tpu.dma_semaphore, #tpu.memory_space<semaphore_mem>>)
    %dma_start3A_14 = arith.constant 256 : i32
    %dma_start3A_15 = tpu.memref_slice %arg8[%dma_start3A_14] : memref<512xf32, #tpu.memory_space<vmem>> -> memref<128xf32, #tpu.memory_space<vmem>>
    %dma_start3A_16 = arith.constant 256 : i32
    %dma_start3A_17 = tpu.memref_slice %arg6[%dma_start3A_16] : memref<512xi32, #tpu.memory_space<vmem>> -> memref<128xi32, #tpu.memory_space<vmem>>
    %dma_start3A_18 = arith.constant 0 : i32
    %dma_start3A_19 = tpu.memref_slice %arg4[%dma_start3A_18] : memref<1048576xf32, #tpu.memory_space<hbm>> -> memref<1048576xf32, #tpu.memory_space<hbm>>
    tpu.enqueue_indirect_dma source(%dma_start3A_19 : memref<1048576xf32, #tpu.memory_space<hbm>>) target(%dma_start3A_15 : memref<128xf32, #tpu.memory_space<vmem>>) offsets(%dma_start3A_17 : memref<128xi32, #tpu.memory_space<vmem>>) semaphore(%arg9 : memref<!tpu.dma_semaphore, #tpu.memory_space<semaphore_mem>>)
    %dma_start3A_20 = arith.constant 384 : i32
    %dma_start3A_21 = tpu.memref_slice %arg8[%dma_start3A_20] : memref<512xf32, #tpu.memory_space<vmem>> -> memref<128xf32, #tpu.memory_space<vmem>>
    %dma_start3A_22 = arith.constant 384 : i32
    %dma_start3A_23 = tpu.memref_slice %arg6[%dma_start3A_22] : memref<512xi32, #tpu.memory_space<vmem>> -> memref<128xi32, #tpu.memory_space<vmem>>
    %dma_start3A_24 = arith.constant 0 : i32
    %dma_start3A_25 = tpu.memref_slice %arg4[%dma_start3A_24] : memref<1048576xf32, #tpu.memory_space<hbm>> -> memref<1048576xf32, #tpu.memory_space<hbm>>
    tpu.enqueue_indirect_dma source(%dma_start3A_25 : memref<1048576xf32, #tpu.memory_space<hbm>>) target(%dma_start3A_21 : memref<128xf32, #tpu.memory_space<vmem>>) offsets(%dma_start3A_23 : memref<128xi32, #tpu.memory_space<vmem>>) semaphore(%arg9 : memref<!tpu.dma_semaphore, #tpu.memory_space<semaphore_mem>>)
    %dma_wait3A = arith.constant 0 : i32
    %dma_wait3A_26 = tpu.memref_slice %arg8[%dma_wait3A] : memref<512xf32, #tpu.memory_space<vmem>> -> memref<128xf32, #tpu.memory_space<vmem>>
    %dma_wait3A_27 = arith.constant 0 : i32
    %dma_wait3A_28 = tpu.memref_slice %arg6[%dma_wait3A_27] : memref<512xi32, #tpu.memory_space<vmem>> -> memref<128xi32, #tpu.memory_space<vmem>>
    %dma_wait3A_29 = arith.constant 0 : i32
    %dma_wait3A_30 = tpu.memref_slice %arg4[%dma_wait3A_29] : memref<1048576xf32, #tpu.memory_space<hbm>> -> memref<1048576xf32, #tpu.memory_space<hbm>>
    tpu.wait_indirect_dma semaphore(%arg9 : memref<!tpu.dma_semaphore, #tpu.memory_space<semaphore_mem>>) src(%dma_wait3A_30 : memref<1048576xf32, #tpu.memory_space<hbm>>) dst(%dma_wait3A_26 : memref<128xf32, #tpu.memory_space<vmem>>)
    %dma_wait3A_31 = arith.constant 128 : i32
    %dma_wait3A_32 = tpu.memref_slice %arg8[%dma_wait3A_31] : memref<512xf32, #tpu.memory_space<vmem>> -> memref<128xf32, #tpu.memory_space<vmem>>
    %dma_wait3A_33 = arith.constant 128 : i32
    %dma_wait3A_34 = tpu.memref_slice %arg6[%dma_wait3A_33] : memref<512xi32, #tpu.memory_space<vmem>> -> memref<128xi32, #tpu.memory_space<vmem>>
    %dma_wait3A_35 = arith.constant 0 : i32
    %dma_wait3A_36 = tpu.memref_slice %arg4[%dma_wait3A_35] : memref<1048576xf32, #tpu.memory_space<hbm>> -> memref<1048576xf32, #tpu.memory_space<hbm>>
    tpu.wait_indirect_dma semaphore(%arg9 : memref<!tpu.dma_semaphore, #tpu.memory_space<semaphore_mem>>) src(%dma_wait3A_36 : memref<1048576xf32, #tpu.memory_space<hbm>>) dst(%dma_wait3A_32 : memref<128xf32, #tpu.memory_space<vmem>>)
    %dma_wait3A_37 = arith.constant 256 : i32
    %dma_wait3A_38 = tpu.memref_slice %arg8[%dma_wait3A_37] : memref<512xf32, #tpu.memory_space<vmem>> -> memref<128xf32, #tpu.memory_space<vmem>>
    %dma_wait3A_39 = arith.constant 256 : i32
    %dma_wait3A_40 = tpu.memref_slice %arg6[%dma_wait3A_39] : memref<512xi32, #tpu.memory_space<vmem>> -> memref<128xi32, #tpu.memory_space<vmem>>
    %dma_wait3A_41 = arith.constant 0 : i32
    %dma_wait3A_42 = tpu.memref_slice %arg4[%dma_wait3A_41] : memref<1048576xf32, #tpu.memory_space<hbm>> -> memref<1048576xf32, #tpu.memory_space<hbm>>
    tpu.wait_indirect_dma semaphore(%arg9 : memref<!tpu.dma_semaphore, #tpu.memory_space<semaphore_mem>>) src(%dma_wait3A_42 : memref<1048576xf32, #tpu.memory_space<hbm>>) dst(%dma_wait3A_38 : memref<128xf32, #tpu.memory_space<vmem>>)
    %dma_wait3A_43 = arith.constant 384 : i32
    %dma_wait3A_44 = tpu.memref_slice %arg8[%dma_wait3A_43] : memref<512xf32, #tpu.memory_space<vmem>> -> memref<128xf32, #tpu.memory_space<vmem>>
    %dma_wait3A_45 = arith.constant 384 : i32
    %dma_wait3A_46 = tpu.memref_slice %arg6[%dma_wait3A_45] : memref<512xi32, #tpu.memory_space<vmem>> -> memref<128xi32, #tpu.memory_space<vmem>>
    %dma_wait3A_47 = arith.constant 0 : i32
    %dma_wait3A_48 = tpu.memref_slice %arg4[%dma_wait3A_47] : memref<1048576xf32, #tpu.memory_space<hbm>> -> memref<1048576xf32, #tpu.memory_space<hbm>>
    tpu.wait_indirect_dma semaphore(%arg9 : memref<!tpu.dma_semaphore, #tpu.memory_space<semaphore_mem>>) src(%dma_wait3A_48 : memref<1048576xf32, #tpu.memory_space<hbm>>) dst(%dma_wait3A_44 : memref<128xf32, #tpu.memory_space<vmem>>)
    %scan3A = arith.constant 0 : i32
    %scan3A_49 = arith.constant 0 : i32
    %scan3A_50 = arith.constant 32 : i32
    %scan3A_51 = arith.addi %scan3A_49, %scan3A_50 : i32
    %scan3A_52 = arith.constant 1 : i32
    %scan3A_53 = scf.for %scan3A_55 = %scan3A_49 to %scan3A_51 step %scan3A_52 iter_args(%scan3A_56 = %scan3A) -> (i32)  : i32 {
      %mul3A_57 = arith.constant 16 : i32
      %mul3A_58 = arith.muli %scan3A_55, %mul3A_57 : i32
      %get3A = arith.index_cast %mul3A_58 : i32 to index
      %get3A_59 = tpu.vector_load %arg8[%get3A] {strides = array<i32>} : memref<512xf32, #tpu.memory_space<vmem>>, vector<16xf32>,
      %get3A_60 = arith.index_cast %mul3A_58 : i32 to index
      %get3A_61 = tpu.vector_load %arg7[%get3A_60] {strides = array<i32>} : memref<512xf32, #tpu.memory_space<vmem>>, vector<16xf32>,
      %add3A_62 = arith.addf %get3A_59, %get3A_61 : vector<16xf32>
      %swap3A = arith.index_cast %mul3A_58 : i32 to index
      %swap3A_63 = tpu.vector_load %arg8[%swap3A] {strides = array<i32>} : memref<512xf32, #tpu.memory_space<vmem>>, vector<16xf32>,
      tpu.vector_store %arg8[%swap3A], %add3A_62 {strides = array<i32>} : memref<512xf32, #tpu.memory_space<vmem>>, vector<16xf32>,
      %scan3A_64 = arith.constant 0 : i32
      scf.yield %scan3A_64 : i32
    }
    %scan3A_54 = arith.constant 32 : i32
    "tpu.region"() ({
      %run_scoped3A = tpu.sem_alloc : memref<!tpu.dma_semaphore, #tpu.memory_space<semaphore_mem>>
      %dma_start3A_55 = tpu.memref_slice %arg5[%mul3A_2] : memref<16384xf32, #tpu.memory_space<hbm>> -> memref<512xf32, #tpu.memory_space<hbm>>
      %dma_start3A_56 = tpu.memref_slice %arg5[%mul3A_2] : memref<16384xf32, #tpu.memory_space<hbm>> -> memref<512xf32, #tpu.memory_space<hbm>>
      tpu.enqueue_dma source(%arg8 : memref<512xf32, #tpu.memory_space<vmem>>) target(%dma_start3A_56 : memref<512xf32, #tpu.memory_space<hbm>>) target_semaphore(%run_scoped3A : memref<!tpu.dma_semaphore, #tpu.memory_space<semaphore_mem>>)
      %dma_wait3A_57 = tpu.memref_slice %arg5[%mul3A_2] : memref<16384xf32, #tpu.memory_space<hbm>> -> memref<512xf32, #tpu.memory_space<hbm>>
      %dma_wait3A_58 = tpu.memref_slice %arg5[%mul3A_2] : memref<16384xf32, #tpu.memory_space<hbm>> -> memref<512xf32, #tpu.memory_space<hbm>>
      tpu.wait_dma2 semaphore(%run_scoped3A : memref<!tpu.dma_semaphore, #tpu.memory_space<semaphore_mem>>) src(%arg8 : memref<512xf32, #tpu.memory_space<vmem>>) dst(%dma_wait3A_58 : memref<512xf32, #tpu.memory_space<hbm>>)
      tpu.yield
    }) : () -> ()
    return
  }
}

module attributes {stable_mosaic.version = 14 : i64} {
  func.func @_tc_small_body(%arg0: i32, %arg1: memref<64x8192xf32, #tpu.memory_space<vmem>>, %arg2: memref<64x8192xf32, #tpu.memory_space<vmem>>, %arg3: memref<128x64xf32, #tpu.memory_space<vmem>>, %arg4: memref<128x64xf32, #tpu.memory_space<vmem>>, %arg5: memref<336xf32, #tpu.memory_space<vmem>>, %arg6: memref<8192xf32, #tpu.memory_space<vmem>>, %arg7: memref<8192xf32, #tpu.memory_space<vmem>>, %arg8: memref<128xf32, #tpu.memory_space<vmem>>, %arg9: memref<128xf32, #tpu.memory_space<vmem>>) attributes {dimension_semantics = [#tpu.dimension_semantics<arbitrary>], iteration_bounds = array<i64: 13>, scalar_prefetch = 0 : i64, scratch_operands = 0 : i64, tpu.core_type = #tpu.core_type<tc>, window_params = [{transform_indices = @transform_0, window_bounds = array<i64: 64, 8192>}, {transform_indices = @transform_1, window_bounds = array<i64: 64, 8192>}, {pipeline_mode = #tpu.pipeline_mode<synchronous>, transform_indices = @transform_2, window_bounds = array<i64: 128, 64>}, {pipeline_mode = #tpu.pipeline_mode<synchronous>, transform_indices = @transform_3, window_bounds = array<i64: 128, 64>}, {pipeline_mode = #tpu.pipeline_mode<synchronous>, transform_indices = @transform_4, window_bounds = array<i64: 336>}, {transform_indices = @transform_5, window_bounds = array<i64: 8192>}, {transform_indices = @transform_6, window_bounds = array<i64: 8192>}, {pipeline_mode = #tpu.pipeline_mode<synchronous>, transform_indices = @transform_7, window_bounds = array<i64: 128>}, {pipeline_mode = #tpu.pipeline_mode<synchronous>, transform_indices = @transform_8, window_bounds = array<i64: 128>}]} {
    %get3A = arith.constant 192 : index
    %get3A_0 = vector.load %arg5[%get3A] : memref<336xf32, #tpu.memory_space<vmem>>, vector<64xf32>
    %mul3A = arith.constant 5.000000e-01 : f32
    %mul3A_1 = vector.broadcast %mul3A : f32 to vector<64xf32>
    %mul3A_2 = arith.mulf %get3A_0, %mul3A_1 : vector<64xf32>
    %broadcast_in_dim3A = vector.shape_cast %mul3A_2 : vector<64xf32> to vector<1x64xf32>
    %get3A_3 = arith.constant 0 : index
    %get3A_4 = arith.constant 0 : index
    %get3A_5 = vector.load %arg1[%get3A_3, %get3A_4] : memref<64x8192xf32, #tpu.memory_space<vmem>>, vector<64x8192xf32>
    %dot_general3A = arith.constant dense<0.000000e+00> : vector<1x8192xf32>
    %dot_general3A_6 = tpu.matmul %broadcast_in_dim3A, %get3A_5, %dot_general3A {dimension_numbers = #tpu.dot_dimension_numbers<[1], [0], [0], [1], [0, 0, 1, 1], [], []>, transpose_lhs_hint = false} : vector<1x64xf32>, vector<64x8192xf32>, vector<1x8192xf32> -> vector<1x8192xf32>
    %squeeze3A = vector.shape_cast %dot_general3A_6 : vector<1x8192xf32> to vector<8192xf32>
    %swap3A = arith.constant 0 : index
    %swap3A_7 = vector.load %arg6[%swap3A] : memref<8192xf32, #tpu.memory_space<vmem>>, vector<8192xf32>
    tpu.vector_store %arg6[%swap3A], %squeeze3A {strides = array<i32>} : memref<8192xf32, #tpu.memory_space<vmem>>, vector<8192xf32>,
    %get3A_8 = arith.constant 256 : index
    %get3A_9 = vector.load %arg5[%get3A_8] : memref<336xf32, #tpu.memory_space<vmem>>, vector<64xf32>
    %broadcast_in_dim3A_10 = vector.shape_cast %get3A_9 : vector<64xf32> to vector<1x64xf32>
    %get3A_11 = arith.constant 0 : index
    %get3A_12 = arith.constant 0 : index
    %get3A_13 = vector.load %arg2[%get3A_11, %get3A_12] : memref<64x8192xf32, #tpu.memory_space<vmem>>, vector<64x8192xf32>
    %dot_general3A_14 = arith.constant dense<0.000000e+00> : vector<1x8192xf32>
    %dot_general3A_15 = tpu.matmul %broadcast_in_dim3A_10, %get3A_13, %dot_general3A_14 {dimension_numbers = #tpu.dot_dimension_numbers<[1], [0], [0], [1], [0, 0, 1, 1], [], []>, transpose_lhs_hint = false} : vector<1x64xf32>, vector<64x8192xf32>, vector<1x8192xf32> -> vector<1x8192xf32>
    %squeeze3A_16 = vector.shape_cast %dot_general3A_15 : vector<1x8192xf32> to vector<8192xf32>
    %swap3A_17 = arith.constant 0 : index
    %swap3A_18 = vector.load %arg7[%swap3A_17] : memref<8192xf32, #tpu.memory_space<vmem>>, vector<8192xf32>
    tpu.vector_store %arg7[%swap3A_17], %squeeze3A_16 {strides = array<i32>} : memref<8192xf32, #tpu.memory_space<vmem>>, vector<8192xf32>,
    %eq3A = arith.constant 0 : i32
    %eq3A_19 = arith.cmpi eq, %arg0, %eq3A : i32
    %convert_element_type3A = arith.extui %eq3A_19 : i1 to i32
    %cond3A = arith.constant 0 : i32
    %cond3A_20 = arith.cmpi ne, %convert_element_type3A, %cond3A : i32
    scf.if %cond3A_20 {
      %get3A_21 = arith.constant 64 : index
      %get3A_22 = vector.load %arg5[%get3A_21] : memref<336xf32, #tpu.memory_space<vmem>>, vector<64xf32>
      %get3A_23 = arith.constant 128 : index
      %get3A_24 = vector.load %arg5[%get3A_23] : memref<336xf32, #tpu.memory_space<vmem>>, vector<64xf32>
      %get3A_25 = arith.constant 0 : index
      %get3A_26 = arith.constant 0 : index
      %get3A_27 = vector.load %arg3[%get3A_25, %get3A_26] : memref<128x64xf32, #tpu.memory_space<vmem>>, vector<128x64xf32>
      %dot_general3A_28 = arith.constant dense<0.000000e+00> : vector<128xf32>
      %dot_general3A_29 = tpu.matmul %get3A_27, %get3A_22, %dot_general3A_28 {dimension_numbers = #tpu.dot_dimension_numbers<[1], [0], [0], [], [0, 0], [], []>, transpose_lhs_hint = false} : vector<128x64xf32>, vector<64xf32>, vector<128xf32> -> vector<128xf32>
      %swap3A_30 = arith.constant 0 : index
      %swap3A_31 = vector.load %arg8[%swap3A_30] : memref<128xf32, #tpu.memory_space<vmem>>, vector<128xf32>
      tpu.vector_store %arg8[%swap3A_30], %dot_general3A_29 {strides = array<i32>} : memref<128xf32, #tpu.memory_space<vmem>>, vector<128xf32>,
      %get3A_32 = arith.constant 0 : index
      %get3A_33 = arith.constant 0 : index
      %get3A_34 = vector.load %arg4[%get3A_32, %get3A_33] : memref<128x64xf32, #tpu.memory_space<vmem>>, vector<128x64xf32>
      %dot_general3A_35 = arith.constant dense<0.000000e+00> : vector<128xf32>
      %dot_general3A_36 = tpu.matmul %get3A_34, %get3A_24, %dot_general3A_35 {dimension_numbers = #tpu.dot_dimension_numbers<[1], [0], [0], [], [0, 0], [], []>, transpose_lhs_hint = false} : vector<128x64xf32>, vector<64xf32>, vector<128xf32> -> vector<128xf32>
      %swap3A_37 = arith.constant 0 : index
      %swap3A_38 = vector.load %arg9[%swap3A_37] : memref<128xf32, #tpu.memory_space<vmem>>, vector<128xf32>
      tpu.vector_store %arg9[%swap3A_37], %dot_general3A_36 {strides = array<i32>} : memref<128xf32, #tpu.memory_space<vmem>>, vector<128xf32>,
    } else {
    }
    return
  }
  func.func @transform_0(%arg0: i32) -> (i32, i32) {
    %c0_i32 = arith.constant 0 : i32
    %c0_i32_0 = arith.constant 0 : i32
    return %c0_i32, %arg0 : i32, i32
  }
  func.func @transform_1(%arg0: i32) -> (i32, i32) {
    %c0_i32 = arith.constant 0 : i32
    %c0_i32_0 = arith.constant 0 : i32
    return %c0_i32, %arg0 : i32, i32
  }
  func.func @transform_2(%arg0: i32) -> (i32, i32) {
    %c0_i32 = arith.constant 0 : i32
    %c0_i32_0 = arith.constant 0 : i32
    %c0_i32_1 = arith.constant 0 : i32
    return %c0_i32, %c0_i32_0 : i32, i32
  }
  func.func @transform_3(%arg0: i32) -> (i32, i32) {
    %c0_i32 = arith.constant 0 : i32
    %c0_i32_0 = arith.constant 0 : i32
    %c0_i32_1 = arith.constant 0 : i32
    return %c0_i32, %c0_i32_0 : i32, i32
  }
  func.func @transform_4(%arg0: i32) -> i32 {
    %c0_i32 = arith.constant 0 : i32
    %c0_i32_0 = arith.constant 0 : i32
    return %c0_i32 : i32
  }
  func.func @transform_5(%arg0: i32) -> i32 {
    %c0_i32 = arith.constant 0 : i32
    return %arg0 : i32
  }
  func.func @transform_6(%arg0: i32) -> i32 {
    %c0_i32 = arith.constant 0 : i32
    return %arg0 : i32
  }
  func.func @transform_7(%arg0: i32) -> i32 {
    %c0_i32 = arith.constant 0 : i32
    %c0_i32_0 = arith.constant 0 : i32
    return %c0_i32 : i32
  }
  func.func @transform_8(%arg0: i32) -> i32 {
    %c0_i32 = arith.constant 0 : i32
    %c0_i32_0 = arith.constant 0 : i32
    return %c0_i32 : i32
  }
}

module attributes {stable_mosaic.version = 14 : i64} {
  func.func @_tc_user_body(%arg0: i32, %arg1: memref<64x65536xf32, #tpu.memory_space<vmem>>, %arg2: memref<336xf32, #tpu.memory_space<vmem>>, %arg3: memref<65536xf32, #tpu.memory_space<vmem>>) attributes {dimension_semantics = [#tpu.dimension_semantics<arbitrary>], iteration_bounds = array<i64: 16>, scalar_prefetch = 0 : i64, scratch_operands = 0 : i64, tpu.core_type = #tpu.core_type<tc>, window_params = [{transform_indices = @transform_0, window_bounds = array<i64: 64, 65536>}, {pipeline_mode = #tpu.pipeline_mode<synchronous>, transform_indices = @transform_1, window_bounds = array<i64: 336>}, {transform_indices = @transform_2, window_bounds = array<i64: 65536>}]} {
    %get3A = arith.constant 0 : index
    %get3A_0 = vector.load %arg2[%get3A] : memref<336xf32, #tpu.memory_space<vmem>>, vector<64xf32>
    %iota3A = tpu.iota {dimensions = array<i32: 0>} : vector<8x64xi32>
    %iota3A_1 = tpu.iota {dimensions = array<i32: 1>} : vector<8x64xi32>
    %shift_right_arithmetic3A = arith.constant 3 : i32
    %shift_right_arithmetic3A_2 = vector.broadcast %shift_right_arithmetic3A : i32 to vector<8x64xi32>
    %shift_right_arithmetic3A_3 = arith.shrsi %iota3A_1, %shift_right_arithmetic3A_2 : vector<8x64xi32>
    %eq3A = arith.cmpi eq, %shift_right_arithmetic3A_3, %iota3A : vector<8x64xi32>
    %broadcast_in_dim3A = vector.shape_cast %get3A_0 : vector<64xf32> to vector<1x64xf32>
    %jit3A = arith.constant 0.000000e+00 : f32
    %broadcast_in_dim3A_4 = vector.shape_cast %broadcast_in_dim3A : vector<1x64xf32> to vector<1x64xf32>
    %broadcast_in_dim3A_5 = vector.broadcast %broadcast_in_dim3A_4 : vector<1x64xf32> to vector<8x64xf32>
    %broadcast_in_dim3A_6 = vector.broadcast %jit3A : f32 to vector<8x64xf32>
    %select_n3A = arith.select %eq3A, %broadcast_in_dim3A_5, %broadcast_in_dim3A_6 : vector<8x64xi1>, vector<8x64xf32>
    %get3A_7 = arith.constant 0 : index
    %get3A_8 = arith.constant 0 : index
    %get3A_9 = vector.load %arg1[%get3A_7, %get3A_8] : memref<64x65536xf32, #tpu.memory_space<vmem>>, vector<64x65536xf32>
    %dot_general3A = arith.constant dense<0.000000e+00> : vector<8x65536xf32>
    %dot_general3A_10 = tpu.matmul %select_n3A, %get3A_9, %dot_general3A {dimension_numbers = #tpu.dot_dimension_numbers<[1], [0], [0], [1], [0, 0, 1, 1], [], []>, transpose_lhs_hint = false} : vector<8x64xf32>, vector<64x65536xf32>, vector<8x65536xf32> -> vector<8x65536xf32>
    %reduce_sum3A = arith.constant dense<0.000000e+00> : vector<65536xf32>
    %reduce_sum3A_11 = vector.multi_reduction <add>, %dot_general3A_10, %reduce_sum3A [0] : vector<8x65536xf32> to vector<65536xf32>
    %swap3A = arith.constant 0 : index
    %swap3A_12 = vector.load %arg3[%swap3A] : memref<65536xf32, #tpu.memory_space<vmem>>, vector<65536xf32>
    tpu.vector_store %arg3[%swap3A], %reduce_sum3A_11 {strides = array<i32>} : memref<65536xf32, #tpu.memory_space<vmem>>, vector<65536xf32>,
    return
  }
  func.func @transform_0(%arg0: i32) -> (i32, i32) {
    %c0_i32 = arith.constant 0 : i32
    %c0_i32_0 = arith.constant 0 : i32
    return %c0_i32, %arg0 : i32, i32
  }
  func.func @transform_1(%arg0: i32) -> i32 {
    %c0_i32 = arith.constant 0 : i32
    %c0_i32_0 = arith.constant 0 : i32
    return %c0_i32 : i32
  }
  func.func @transform_2(%arg0: i32) -> i32 {
    %c0_i32 = arith.constant 0 : i32
    return %arg0 : i32
  }
}

</mosaic_0001>

<sc_bundles>
// kernel: _run.6.cloned.1.call-start
scs
__scs_entry_jumppad:
0x0: {  	(pc) =	sbr.rel $0x88, $3  }
0x1: {  	(tag) =	ssettag $0x0;
	lr =	simm.s32 $0x1  }
0x2: {  	[smem:$0x3F94] =	sst lr;
	_ =	strace $0xD0000000  }
0x3: {  	_ = 	snop  }
0x4: {  	_ = 	snop  }
0x5: {  	_ = 	snop  }
0x6: {  	_ = 	snop  }
0x7: {  	_ = 	snop  }
__scs_overlays_trampoline_lowered:
0x8: {  	[smem:$0x3FA3] =	sst s0  }
0x9: {  	[smem:$0x3FA4] =	sst s1  }
0xa: {  	[smem:$0x3FA5] =	sst s2  }
0xb: {  	[smem:$0x3FA6] =	sst s3  }
0xc: {  	[smem:$0x3FA7] =	sst s4  }
0xd: {  	[smem:$0x3FA8] =	sst s5  }
0xe: {  	[smem:$0x3FA9] =	sst s6  }
0xf: {  	[smem:$0x3FAA] =	sst s7  }
0x10: {  	[smem:$0x3FAB] =	sst s8  }
0x11: {  	[smem:$0x3FAC] =	sst s9;
	s0 =	simm.s32 @!p0 $0x0  }
0x12: {  	s1 =	sld [smem:$0x3F92];
	s0 =	simm.s32 @p0 $0x1  }
0x13: {  	[smem:$0x3FAD] =	sst s0;
	s0 =	simm.s32 @!p1 $0x0  }
0x14: {  	s2 =	sld [smem:$0x3F91];
	s0 =	simm.s32 @p1 $0x1  }
0x15: {  	[smem:$0x3FAE] =	sst s0;
	s0 =	simm.s32 @!p2 $0x0  }
0x16: {  	s3 =	sld [smem:$0x3FDB];
	s0 =	simm.s32 @p2 $0x1  }
0x17: {  	s4 =	simm.s32 $0x1BF5;
	[smem:$0x3FB0] =	sst s0  }
0x18: {  	s0 =	sld [smem:$0x3F93];
	_ =	swait.ge [sflag:s4], $0x0  }
0x19: {  	s7 =	sld [smem:$0x3F94]  }
0x1a: {  	s8 =	sadd.s32 $0xFFFFE003, lr  }
0x1b: {  	s9 =	sadd.s32 $0xFFFFFEF7, lr;
	s5 =	simm.s32 $0xFFFFFFFF;
	p2 =	slt.u32 s8, $0xFFFFF086  }
0x1c: {  	p1 =	slt.u32 s9, $0xF7A;
	s5 =	simm.s32 @!p2 $0x0  }
0x1d: {  	s5 =	simm.s32 @p1 $0x1;
	p0 =	seq.s32 s7, s2  }
0x1e: {  	s7 =	smul.u32 @!p0 $0xF7A, s2;
	p2 =	seq.s32 @!p0 s5, $0x0  }
0x1f: {  	s9 =	smul.u32 $0xF7A, s1;
	s8 =	simm.s32 @!p0 $0x1BF5;
	p2 =	por !p2, p0  }
0x20: {  	[sflag:s8] =	ssyncset.s32 @!p0 $0xFFFFF086;
	s6 =	sadd.s32 @!p0 s3, s7;
	s7 =	simm.s32 @!p0 $0x108  }
0x21: {  	s3 =	sadd.s32 s3, s9;
	s6 =	sadd.s32 @!p0 $0x88, s6;
	s7 =	simm.s32 @p2 $0x1082  }
0x22: {  	[simem:s7], [sflag:s8] =	dma.local @!p0 [hbm:s6], $0xF7A  }
0x23: {  	s9 =	sor.u32 $0xD0000000, s2;
	s6 =	simm.s32 $0x108;
	_ =	swait.ge @!p0 [sflag:s8], $0x0  }
0x24: {  	s3 =	sadd.s32 $0x88, s3;
	s6 =	simm.s32 @!p1 $0x1082;
	[sflag:s4] =	ssyncset.s32 $0xFFFFF086  }
0x25: {  	[simem:s6], [sflag:s4] =	dma.local [hbm:s3], $0xF7A  }
0x26: {  	[smem:$0x3F94] =	sst s1;
	(tag) =	ssettag s2;
	_ =	strace s9  }
0x27: {  	s1 =	sld [smem:$0x3FA4]  }
0x28: {  	s2 =	sld [smem:$0x3FA5]  }
0x29: {  	s4 =	sld [smem:$0x3FA7]  }
0x2a: {  	p0 =	seq.s32 s5, $0x0;
	s5 =	sld [smem:$0x3FA8]  }
0x2b: {  	s6 =	sld [smem:$0x3FA9]  }
0x2c: {  	s7 =	sld [smem:$0x3FAA]  }
0x2d: {  	s3 =	simm.s32 $0x108;
	s8 =	sld [smem:$0x3FAB]  }
0x2e: {  	s3 =	simm.s32 @!p0 $0x1082;
	s9 =	sld [smem:$0x3FAC]  }
0x2f: {  	lr =	sadd.s32 s0, s3;
	s0 =	sld [smem:$0x3FA3]  }
0x30: {  	s3 =	sld [smem:$0x3FA6]  }
0x31: {  	[smem:$0x3FAF] =	sst s10  }
0x32: {  	s10 =	sld [smem:$0x3FAD];
	_ =	sdelay $0x3  }
0x33: {  	p0 =	seq.s32 s10, $0x1;
	s10 =	sld [smem:$0x3FAF];
	_ =	sdelay $0x3  }
0x34: {  	[smem:$0x3FAF] =	sst s10  }
0x35: {  	s10 =	sld [smem:$0x3FAE];
	_ =	sdelay $0x3  }
0x36: {  	p1 =	seq.s32 s10, $0x1;
	s10 =	sld [smem:$0x3FAF];
	_ =	sdelay $0x3  }
0x37: {  	[smem:$0x3FAF] =	sst s10  }
0x38: {  	s10 =	sld [smem:$0x3FB0]  }
0x39: {  	_ = 	snop;
	(pc) =	sbr.ind lr, $3  }
0x3a: {  	_ = 	snop  }
0x3b: {  	_ = 	snop  }
0x3c: {  	p2 =	seq.s32 s10, $0x1;
	s10 =	sld [smem:$0x3FAF]  }
0x3d: {  	_ =	shalt  }
0x3e: {  	_ =	shalt  }
0x3f: {  	_ =	shalt  }
0x40: {  	_ =	shalt  }
0x41: {  	_ =	shalt  }
0x42: {  	_ =	shalt  }
0x43: {  	_ =	shalt  }
0x44: {  	_ =	shalt  }
0x45: {  	_ =	shalt  }
0x46: {  	_ =	shalt  }
0x47: {  	_ =	shalt  }
0x48: {  	_ =	shalt  }
0x49: {  	_ =	shalt  }
0x4a: {  	_ =	shalt  }
0x4b: {  	_ =	shalt  }
0x4c: {  	_ =	shalt  }
0x4d: {  	_ =	shalt  }
0x4e: {  	_ =	shalt  }
0x4f: {  	_ =	shalt  }
0x50: {  	_ =	shalt  }
0x51: {  	_ =	shalt  }
0x52: {  	_ =	shalt  }
0x53: {  	_ =	shalt  }
0x54: {  	_ =	shalt  }
0x55: {  	_ =	shalt  }
0x56: {  	_ =	shalt  }
0x57: {  	_ =	shalt  }
0x58: {  	_ =	shalt  }
0x59: {  	_ =	shalt  }
0x5a: {  	_ =	shalt  }
0x5b: {  	_ =	shalt  }
0x5c: {  	_ =	shalt  }
0x5d: {  	_ =	shalt  }
0x5e: {  	_ =	shalt  }
0x5f: {  	_ =	shalt  }
0x60: {  	_ =	shalt  }
0x61: {  	_ =	shalt  }
0x62: {  	_ =	shalt  }
0x63: {  	_ =	shalt  }
0x64: {  	_ =	shalt  }
0x65: {  	_ =	shalt  }
0x66: {  	_ =	shalt  }
0x67: {  	_ =	shalt  }
0x68: {  	_ =	shalt  }
0x69: {  	_ =	shalt  }
0x6a: {  	_ =	shalt  }
0x6b: {  	_ =	shalt  }
0x6c: {  	_ =	shalt  }
0x6d: {  	_ =	shalt  }
0x6e: {  	_ =	shalt  }
0x6f: {  	_ =	shalt  }
0x70: {  	_ =	shalt  }
0x71: {  	_ =	shalt  }
0x72: {  	_ =	shalt  }
0x73: {  	_ =	shalt  }
0x74: {  	_ =	shalt  }
0x75: {  	_ =	shalt  }
0x76: {  	_ =	shalt  }
0x77: {  	_ =	shalt  }
0x78: {  	_ =	shalt  }
0x79: {  	_ =	shalt  }
0x7a: {  	_ =	shalt  }
0x7b: {  	_ =	shalt  }
0x7c: {  	_ =	shalt  }
0x7d: {  	_ =	shalt  }
0x7e: {  	_ =	shalt  }
0x7f: {  	_ =	shalt  }
0x80: {  	_ =	shalt  }
0x81: {  	_ =	shalt  }
0x82: {  	_ =	shalt  }
0x83: {  	_ =	shalt  }
0x84: {  	_ =	shalt  }
0x85: {  	_ =	shalt  }
0x86: {  	_ =	shalt  }
0x87: {  	_ =	shalt  }
.Lfunc_end0:
.L_simem_size_0:
called_computation_lowered:
.L_overlay_start_0:
0x88: {  	s2 =	sld [smem:$0x3FD9]  }
0x89: {  	s3 =	sld [smem:$0x3FFE];
	_ =	sdelay $0x1  }
0x8a: {  	s1 =	srdreg.scid  }
0x8b: {  	s0 =	sand.u32 $0x1, s1  }
0x8c: {  	s17 =	sshll.u32 s0, $0xA;
	s2 =	sadd.s32 s3, s2  }
0x8d: {  	s2 =	sadd.s32 s2, s17  }
0x8e: {  	[smem:$0x3FBB] =	sst s2  }
0x8f: {  	_ = 	snop  }
0x90: {  	s2 =	sld [smem:$0x3FC8]  }
0x91: {  	s18 =	sld [smem:$0x3FC7]  }
0x92: {  	s4 =	sld [smem:$0x3FC5]  }
0x93: {  	s5 =	sld [smem:$0x3FC4]  }
0x94: {  	s6 =	sld [smem:$0x3FD0];
	(tm) =	ssettm $0x1  }
0x95: {  	s7 =	sld [smem:$0x3FFB];
	_ =	sdelay $0x3  }
0x96: {  	_ =	strace s7  }
0x97: {  	s7 =	sld [smem:$0x3FFC];
	_ =	sdelay $0x3  }
0x98: {  	_ =	strace s7  }
0x99: {  	s7 =	sld [smem:$0x3FFD];
	_ =	sdelay $0x3  }
0x9a: {  	_ =	strace s7  }
0x9b: {  	_ =	strace $0x8FFFFFFF  }
0x9c: {  	s19 =	sld [smem:$0x3FDB];
	_ =	sdelay $0x1  }
0x9d: {  	s8 =	simm.s32 $_scs_section_size  }
0x9e: {  	s9 =	simm.s32 $_size__tile_overlayer_lowered;
	s10 =	simm.s32 $_tile_overlayer_lowered  }
0x9f: {  	s22 =	simm.s32 $0x1BFF;
	s21 =	sshll.u32 s10, $0x1;
	s7 =	sadd.s32 s8, s19  }
0xa0: {  	s11 =	simm.s32 $0x0;
	s20 =	sshll.u32 s9, $0x1;
	s9 =	sadd.s32 s21, s7  }
0xa1: {  	[timem:s11], [sflag:s22] =	dma.local [hbm:s9], s20  }
0xa2: {  	_ =	swait.ge [sflag:s22], s20  }
0xa3: {  	s8 =	ssub.s32 $0x0, s20;
	[sflag:s22] =	ssyncset.done $0x0  }
0xa4: {  	[sflag:s22] =	ssyncadd.s32 s8;
	_ =	sdelay $0x1  }
0xa5: {  	s23 =	simm.s32 $0x1B8B  }
0xa6: {  	_ =	swait.ge [sflag:s23], $0x1  }
0xa7: {  	[sflag:s23] =	ssyncset.done $0x0  }
0xa8: {  	s25 =	simm.s32 $0x1B8E;
	s24 =	sld [smem:$0x3FFE];
	[sflag:s23] =	ssyncadd.s32 $0xFFFFFFFF  }
0xa9: {  	s26 =	simm.s32 $execute0_lowered;
	[smem:$0x3FD2] =	sst s25  }
0xaa: {  	s9 =	sshll.u32 s26, $0x1;
	_ =	strace $0x80000046;
	[dreg:$0x1] =	wrdreg $0xFFFFFFFF  }
0xab: {  	s28 =	simm.s32 $_size_execute0_lowered;
	s7 =	sadd.s32 s7, s9;
	[dreg:$0x0] =	wrdreg $0x0  }
0xac: {  	s9 =	sshll.u32 s28, $0x1;
	[dreg:$0x2] =	wrdreg s7  }
0xad: {  	[dreg:$0x3] =	wrdreg s9  }
0xae: {  	[dreg:$0x4] =	wrdreg $0xC0  }
0xaf: {  	_ =	task [dreg:s11], $0x5FFFF  }
0xb0: {  	[dreg:$0x1] =	wrdreg $0xFFFFFFFF  }
0xb1: {  	[dreg:$0x0] =	wrdreg $0x60  }
0xb2: {  	[dreg:$0x2] =	wrdreg s2  }
0xb3: {  	[dreg:$0x3] =	wrdreg s18  }
0xb4: {  	[dreg:$0x4] =	wrdreg s24  }
0xb5: {  	[dreg:$0x5] =	wrdreg s4  }
0xb6: {  	[dreg:$0x6] =	wrdreg s5  }
0xb7: {  	[dreg:$0x7] =	wrdreg s6  }
0xb8: {  	[dreg:$0x8] =	wrdreg $0x9  }
0xb9: {  	_ =	task.clear_ibuf [dreg:s11], $0x9FFFF;
	_ =	strace $0x90000046  }
0xba: {  	s29 =	simm.s32 $0x9;
	_ =	strace $0x80000048  }
0xbb: {  	_ =	swait.ge [sflag:s29], $0x1  }
0xbc: {  	[sflag:s29] =	ssyncadd.s32 $0xFFFFFFFF  }
0xbd: {  	_ =	strace $0x90000048  }
0xbe: {  	_ =	sfence  }
0xbf: {  	s30 =	sld [smem:$0x0];
	_ =	sdelay $0x2  }
0xc0: {  	s31 =	sshll.u32 s1, $0xD;
	s1 =	sshrl.u32 s1, $0x2  }
0xc1: {  	s3 =	sand.u32 $0x4000, s31;
	s1 =	sadd.s32 s1, s30  }
0xc2: {  	s0 =	sor.u32 s3, s0;
	s1 =	sshll.u32 s1, $0x11  }
0xc3: {  	s0 =	sor.u32 s1, s0  }
0xc4: {  	s0 =	sadd.s32 $0x8F2B, s0  }
0xc5: {  	[sflag:s0] =	ssyncadd.remote.s32 $0x1  }
0xc6: {  	_ =	sfence.sel $0xFFFF  }
0xc7: {  	[dreg:$0x0] =	wrdreg $0xFFFFFFFF;
	(pc) =	sbr.abs _section_cstart, $3  }
0xc8: {  	[dreg:$0x1] =	wrdreg $0xFFFFFFFF  }
0xc9: {  	_ =	task.clear_ibuf [dreg:s11], $0x2FFFF;
	_ =	strace $0x9FFFFFFF  }
0xca: {  	(tm) =	ssettm $0x7FFFFFFF  }
0xcb: {  	_ =	shalt  }
tec
execute0_lowered:
.L_overlay_start_1:
0x0: {  	(tag) =	ssettag $0x1  }
0x1: {  	s0 =	rddreg [dreg:$0x0]  }
0x2: {  	s1 =	rddreg [dreg:$0x1]  }
0x3: {  	s3 =	rddreg [dreg:$0x2]  }
0x4: {  	s6 =	rddreg [dreg:$0x3]  }
0x5: {  	s7 =	rddreg [dreg:$0x4]  }
0x6: {  	s2 =	simm.s32 $0x0;
	s8 =	srdreg.scid;
	s9 =	stileid.u32  }
0x7: {  	s30 =	simm.s32 $0x650;
	s28 =	simm.s32 $0x1050;
	s29 =	simm.s32 $0x1250  }
0x8: {  	s31 =	simm.s32 $0x1450;
	s12 =	simm.s32 $0x0;
	[smem:$0x7FF] =	sst s2  }
0x9: {  	s4 =	sadd.s32 $0x6400, s3;
	s5 =	sadd.s32 $0x9800, s3;
	s8 =	sand.u32 $0x1, s8  }
0xa: {  	s9 =	sshll.u32 s9, $0x7;
	s11 =	sadd.s32 $0xCC00, s3;
	s19 =	sadd.s32 $0xCE00, s3  }
0xb: {  	_ =	strace $0x80000047;
	s10 =	sshll.u32 s8, $0x6;
	[dreg:$0x7] =	wrdreg s11  }
0xc: {  	s8 =	ssub.s32 $0x2, s8;
	[dreg:$0x8] =	wrdreg s19;
	s11 =	simm.s32 $0x1  }
0xd: {  	s9 =	sor.u32 s10, s9;
	s18 =	sshrl.u32 s8, $0x1;
	s10 =	simm.s32 $0x80  }
0xe: {  	s3 =	sadd.s32 s9, s3;
	s8 =	ssub.s32 s8, s18;
	s0 =	sadd.s32 s0, s9  }
0xf: {  	s20 =	sadd.s32 s1, s9;
	s21 =	sadd.s32 s6, s9;
	[dreg:$0x9] =	wrdreg s0  }
0x10: {  	s22 =	sadd.s32 s7, s9;
	s1 =	simm.s32 $0xE50;
	[dreg:$0xa] =	wrdreg s20  }
0x11: {  	s6 =	simm.s32 $0x1650;
	s7 =	simm.s32 $0x1850;
	[dreg:$0xb] =	wrdreg s21  }
0x12: {  	s9 =	simm.s32 $0x1C50;
	[dreg:$0xc] =	wrdreg s22;
	s23 =	sadd.s32 $0x1400, s3  }
0x13: {  	s24 =	sadd.s32 $0x1C00, s3;
	s25 =	sadd.s32 $0x2400, s3;
	s26 =	sadd.s32 $0x2C00, s3  }
0x14: {  	s16 =	sadd.s32 $0x3400, s3;
	s17 =	sadd.s32 $0x3C00, s3;
	s18 =	sadd.s32 $0x4400, s3  }
0x15: {  	s19 =	sadd.s32 $0x4C00, s3;
	s20 =	sadd.s32 $0x5400, s3;
	[dreg:$0xd] =	wrdreg s23  }
0x16: {  	s21 =	sadd.s32 $0x5C00, s3;
	s22 =	sadd.s32 $0xD000, s3;
	[dreg:$0xe] =	wrdreg s24  }
0x17: {  	s0 =	simm.s32 $0xA50;
	s3 =	simm.s32 $0xC50;
	[dreg:$0xf] =	wrdreg s25  }
0x18: {  	[dreg:$0x10] =	wrdreg s26;
	s23 =	smax.u32 s8, $0x1;
	s24 =	simm.s32 $0x2  }
0x19: {  	s25 =	simm.s32 $0x150;
	s26 =	simm.s32 $0x1D0;
	s8 =	simm.s32 $0x1A50  }
.LBB2_1:
0x1a: {  	s13 =	rddreg [dreg:$0x5]  }
0x1b: {  	[tilespmem:s2], [sflag:$0x2] =	stream.linear.gather [hbm4b:s13+s2], $0x150, $0x38;
	[tilespmem:$0x3650] =	vst v63  }
0x1c: {  	_ =	swait.ge [sflag:s24], $0x150  }
0x1d: {  	[sflag:s24] =	ssyncset.done $0x0  }
0x1e: {  	s15 =	rddreg [dreg:$0x7];
	[sflag:s24] =	ssyncadd.s32 $0xFFFFFEB0  }
0x1f: {  	[tilespmem:s25], [sflag:$0x2] =	stream.linear.gather [hbm4b:s15+s2], $0x80, $0x38;
	[tilespmem:$0x3650] =	vst v63  }
0x20: {  	_ =	swait.ge [sflag:s24], $0x80  }
0x21: {  	[sflag:s24] =	ssyncset.done $0x0  }
0x22: {  	s14 =	rddreg [dreg:$0x8];
	[sflag:s24] =	ssyncadd.s32 $0xFFFFFF80  }
0x23: {  	[tilespmem:s26], [sflag:$0x2] =	stream.linear.gather [hbm4b:s14+s2], $0x80, $0x38;
	[tilespmem:$0x3650] =	vst v63  }
0x24: {  	_ =	swait.ge [sflag:s24], $0x80  }
0x25: {  	[sflag:s24] =	ssyncset.done $0x0  }
0x26: {  	s14 =	simm.s32 $0x250;
	s15 =	rddreg [dreg:$0x9];
	[sflag:s24] =	ssyncadd.s32 $0xFFFFFF80  }
0x27: {  	[tilespmem:s14], [sflag:$0x2] =	stream.linear.gather [hbm4b:s15+s2], $0x200, $0x38;
	[tilespmem:$0x3650] =	vst v63  }
0x28: {  	_ =	swait.ge [sflag:s24], $0x200  }
0x29: {  	[sflag:s24] =	ssyncset.done $0x0  }
0x2a: {  	s15 =	simm.s32 $0x450;
	s14 =	rddreg [dreg:$0xa];
	[sflag:s24] =	ssyncadd.s32 $0xFFFFFE00  }
0x2b: {  	[tilespmem:s15], [sflag:$0x2] =	stream.linear.gather [hbm4b:s14+s2], $0x200, $0x38;
	[tilespmem:$0x3650] =	vst v63  }
0x2c: {  	_ =	swait.ge [sflag:s24], $0x200  }
0x2d: {  	[sflag:s24] =	ssyncset.done $0x0  }
0x2e: {  	s15 =	rddreg [dreg:$0xb];
	[sflag:s24] =	ssyncadd.s32 $0xFFFFFE00  }
0x2f: {  	[tilespmem:s30], [sflag:$0x2] =	stream.linear.gather [hbm4b:s15+s2], $0x200, $0x38;
	[tilespmem:$0x3650] =	vst v63  }
0x30: {  	_ =	swait.ge [sflag:s24], $0x200  }
0x31: {  	[sflag:s24] =	ssyncset.done $0x0  }
0x32: {  	s15 =	simm.s32 $0x850;
	s14 =	rddreg [dreg:$0xc];
	[sflag:s24] =	ssyncadd.s32 $0xFFFFFE00  }
0x33: {  	[tilespmem:s15], [sflag:$0x2] =	stream.linear.gather [hbm4b:s14+s2], $0x200, $0x38;
	[tilespmem:$0x3650] =	vst v63  }
0x34: {  	_ =	swait.ge [sflag:s24], $0x200  }
0x35: {  	[sflag:s24] =	ssyncset.done $0x0  }
0x36: {  	s15 =	rddreg [dreg:$0xd];
	[sflag:s24] =	ssyncadd.s32 $0xFFFFFE00  }
0x37: {  	[tilespmem:s0], [sflag:$0x2] =	stream.linear.gather [hbm4b:s15+s2], $0x200, $0x38;
	[tilespmem:$0x3650] =	vst v63  }
0x38: {  	_ =	swait.ge [sflag:s24], $0x200  }
0x39: {  	[sflag:s24] =	ssyncset.done $0x0  }
0x3a: {  	s14 =	rddreg [dreg:$0xe];
	[sflag:s24] =	ssyncadd.s32 $0xFFFFFE00  }
0x3b: {  	[tilespmem:s3], [sflag:$0x2] =	stream.linear.gather [hbm4b:s14+s2], $0x200, $0x38;
	[tilespmem:$0x3650] =	vst v63  }
0x3c: {  	_ =	swait.ge [sflag:s24], $0x200  }
0x3d: {  	[sflag:s24] =	ssyncset.done $0x0  }
0x3e: {  	s15 =	rddreg [dreg:$0xf];
	[sflag:s24] =	ssyncadd.s32 $0xFFFFFE00  }
0x3f: {  	[tilespmem:s1], [sflag:$0x2] =	stream.linear.gather [hbm4b:s15+s2], $0x200, $0x38;
	[tilespmem:$0x3650] =	vst v63  }
0x40: {  	_ =	swait.ge [sflag:s24], $0x200  }
0x41: {  	[sflag:s24] =	ssyncset.done $0x0  }
0x42: {  	s14 =	rddreg [dreg:$0x10];
	[sflag:s24] =	ssyncadd.s32 $0xFFFFFE00  }
0x43: {  	[tilespmem:s28], [sflag:$0x2] =	stream.linear.gather [hbm4b:s14+s2], $0x200, $0x38;
	[tilespmem:$0x3650] =	vst v63  }
0x44: {  	_ =	swait.ge [sflag:s24], $0x200  }
0x45: {  	[sflag:s24] =	ssyncset.done $0x0  }
0x46: {  	[sflag:s24] =	ssyncadd.s32 $0xFFFFFE00  }
0x47: {  	[tilespmem:s29], [sflag:$0x2] =	stream.linear.gather [hbm4b:s16+s2], $0x200, $0x38;
	[tilespmem:$0x3650] =	vst v63  }
0x48: {  	_ =	swait.ge [sflag:s24], $0x200  }
0x49: {  	[sflag:s24] =	ssyncset.done $0x0  }
0x4a: {  	[sflag:s24] =	ssyncadd.s32 $0xFFFFFE00  }
0x4b: {  	[tilespmem:s31], [sflag:$0x2] =	stream.linear.gather [hbm4b:s17+s2], $0x200, $0x38;
	[tilespmem:$0x3650] =	vst v63  }
0x4c: {  	_ =	swait.ge [sflag:s24], $0x200  }
0x4d: {  	[sflag:s24] =	ssyncset.done $0x0  }
0x4e: {  	[sflag:s24] =	ssyncadd.s32 $0xFFFFFE00  }
0x4f: {  	[tilespmem:s6], [sflag:$0x2] =	stream.linear.gather [hbm4b:s18+s2], $0x200, $0x38;
	[tilespmem:$0x3650] =	vst v63  }
0x50: {  	_ =	swait.ge [sflag:s24], $0x200  }
0x51: {  	[sflag:s24] =	ssyncset.done $0x0  }
0x52: {  	[sflag:s24] =	ssyncadd.s32 $0xFFFFFE00  }
0x53: {  	[tilespmem:s7], [sflag:$0x2] =	stream.linear.gather [hbm4b:s19+s2], $0x200, $0x38;
	[tilespmem:$0x3650] =	vst v63  }
0x54: {  	_ =	swait.ge [sflag:s24], $0x200  }
0x55: {  	[sflag:s24] =	ssyncset.done $0x0  }
0x56: {  	[sflag:s24] =	ssyncadd.s32 $0xFFFFFE00  }
0x57: {  	[tilespmem:s8], [sflag:$0x2] =	stream.linear.gather [hbm4b:s20+s2], $0x200, $0x38;
	[tilespmem:$0x3650] =	vst v63  }
0x58: {  	_ =	swait.ge [sflag:s24], $0x200  }
0x59: {  	[sflag:s24] =	ssyncset.done $0x0  }
0x5a: {  	[sflag:s24] =	ssyncadd.s32 $0xFFFFFE00  }
0x5b: {  	[tilespmem:s9], [sflag:$0x2] =	stream.linear.gather [hbm4b:s21+s2], $0x200, $0x38;
	[tilespmem:$0x3650] =	vst v63  }
0x5c: {  	_ =	swait.ge [sflag:s24], $0x200  }
0x5d: {  	[sflag:s24] =	ssyncset.done $0x0  }
0x5e: {  	s15 =	simm.s32 $0x3250;
	[sflag:s24] =	ssyncadd.s32 $0xFFFFFE00  }
0x5f: {  	[tilespmem:s15], [sflag:$0x1] =	stream.indirect.gather [hbm4b:s5+s10], $0x1, s30, s10, $0xb8;
	[tilespmem:$0x3650] =	vst v63  }
0x60: {  	s14 =	simm.s32 $0x6D0;
	s15 =	simm.s32 $0x32D0  }
0x61: {  	[tilespmem:s15], [sflag:$0x1] =	stream.indirect.gather [hbm4b:s5+s10], $0x1, s14, s10, $0xb8;
	[tilespmem:$0x3650] =	vst v63  }
0x62: {  	s14 =	simm.s32 $0x750;
	s15 =	simm.s32 $0x3350  }
0x63: {  	[tilespmem:s15], [sflag:$0x1] =	stream.indirect.gather [hbm4b:s5+s10], $0x1, s14, s10, $0xb8;
	[tilespmem:$0x3650] =	vst v63  }
0x64: {  	s14 =	simm.s32 $0x7D0;
	s15 =	simm.s32 $0x33D0  }
0x65: {  	[tilespmem:s15], [sflag:$0x1] =	stream.indirect.gather [hbm4b:s5+s10], $0x1, s14, s10, $0xb8;
	[tilespmem:$0x3650] =	vst v63  }
0x66: {  	s15 =	simm.s32 $0x1E50  }
0x67: {  	[tilespmem:s15], [sflag:$0x1] =	stream.indirect.gather [hbm4b:s4+s10], $0x1, s0, s10, $0xb8;
	[tilespmem:$0x3650] =	vst v63  }
0x68: {  	s14 =	simm.s32 $0xAD0;
	s15 =	simm.s32 $0x1ED0  }
0x69: {  	[tilespmem:s15], [sflag:$0x1] =	stream.indirect.gather [hbm4b:s4+s10], $0x1, s14, s10, $0xb8;
	[tilespmem:$0x3650] =	vst v63  }
0x6a: {  	s14 =	simm.s32 $0xB50;
	s15 =	simm.s32 $0x1F50  }
0x6b: {  	[tilespmem:s15], [sflag:$0x1] =	stream.indirect.gather [hbm4b:s4+s10], $0x1, s14, s10, $0xb8;
	[tilespmem:$0x3650] =	vst v63  }
0x6c: {  	s14 =	simm.s32 $0xBD0;
	s15 =	simm.s32 $0x1FD0  }
0x6d: {  	[tilespmem:s15], [sflag:$0x1] =	stream.indirect.gather [hbm4b:s4+s10], $0x1, s14, s10, $0xb8;
	[tilespmem:$0x3650] =	vst v63  }
0x6e: {  	s15 =	simm.s32 $0x2050  }
0x6f: {  	[tilespmem:s15], [sflag:$0x1] =	stream.indirect.gather [hbm4b:s4+s10], $0x1, s3, s10, $0xb8;
	[tilespmem:$0x3650] =	vst v63  }
0x70: {  	s14 =	simm.s32 $0xCD0;
	s15 =	simm.s32 $0x20D0  }
0x71: {  	[tilespmem:s15], [sflag:$0x1] =	stream.indirect.gather [hbm4b:s4+s10], $0x1, s14, s10, $0xb8;
	[tilespmem:$0x3650] =	vst v63  }
0x72: {  	s14 =	simm.s32 $0xD50;
	s15 =	simm.s32 $0x2150  }
0x73: {  	[tilespmem:s15], [sflag:$0x1] =	stream.indirect.gather [hbm4b:s4+s10], $0x1, s14, s10, $0xb8;
	[tilespmem:$0x3650] =	vst v63  }
0x74: {  	s14 =	simm.s32 $0xDD0;
	s15 =	simm.s32 $0x21D0  }
0x75: {  	[tilespmem:s15], [sflag:$0x1] =	stream.indirect.gather [hbm4b:s4+s10], $0x1, s14, s10, $0xb8;
	[tilespmem:$0x3650] =	vst v63  }
0x76: {  	s15 =	simm.s32 $0x2250  }
0x77: {  	[tilespmem:s15], [sflag:$0x1] =	stream.indirect.gather [hbm4b:s4+s10], $0x1, s1, s10, $0xb8;
	[tilespmem:$0x3650] =	vst v63  }
0x78: {  	s14 =	simm.s32 $0xED0;
	s15 =	simm.s32 $0x22D0  }
0x79: {  	[tilespmem:s15], [sflag:$0x1] =	stream.indirect.gather [hbm4b:s4+s10], $0x1, s14, s10, $0xb8;
	[tilespmem:$0x3650] =	vst v63  }
0x7a: {  	s14 =	simm.s32 $0xF50;
	s15 =	simm.s32 $0x2350  }
0x7b: {  	[tilespmem:s15], [sflag:$0x1] =	stream.indirect.gather [hbm4b:s4+s10], $0x1, s14, s10, $0xb8;
	[tilespmem:$0x3650] =	vst v63  }
0x7c: {  	s14 =	simm.s32 $0xFD0;
	s15 =	simm.s32 $0x23D0  }
0x7d: {  	[tilespmem:s15], [sflag:$0x1] =	stream.indirect.gather [hbm4b:s4+s10], $0x1, s14, s10, $0xb8;
	[tilespmem:$0x3650] =	vst v63  }
0x7e: {  	s15 =	simm.s32 $0x2450  }
0x7f: {  	[tilespmem:s15], [sflag:$0x1] =	stream.indirect.gather [hbm4b:s4+s10], $0x1, s28, s10, $0xb8;
	[tilespmem:$0x3650] =	vst v63  }
0x80: {  	s14 =	simm.s32 $0x10D0;
	s15 =	simm.s32 $0x24D0  }
0x81: {  	[tilespmem:s15], [sflag:$0x1] =	stream.indirect.gather [hbm4b:s4+s10], $0x1, s14, s10, $0xb8;
	[tilespmem:$0x3650] =	vst v63  }
0x82: {  	s14 =	simm.s32 $0x1150;
	s15 =	simm.s32 $0x2550  }
0x83: {  	[tilespmem:s15], [sflag:$0x1] =	stream.indirect.gather [hbm4b:s4+s10], $0x1, s14, s10, $0xb8;
	[tilespmem:$0x3650] =	vst v63  }
0x84: {  	s14 =	simm.s32 $0x11D0;
	s15 =	simm.s32 $0x25D0  }
0x85: {  	[tilespmem:s15], [sflag:$0x1] =	stream.indirect.gather [hbm4b:s4+s10], $0x1, s14, s10, $0xb8;
	[tilespmem:$0x3650] =	vst v63  }
0x86: {  	s15 =	simm.s32 $0x2650  }
0x87: {  	[tilespmem:s15], [sflag:$0x1] =	stream.indirect.gather [hbm4b:s4+s10], $0x1, s29, s10, $0xb8;
	[tilespmem:$0x3650] =	vst v63  }
0x88: {  	s14 =	simm.s32 $0x12D0;
	s15 =	simm.s32 $0x26D0  }
0x89: {  	[tilespmem:s15], [sflag:$0x1] =	stream.indirect.gather [hbm4b:s4+s10], $0x1, s14, s10, $0xb8;
	[tilespmem:$0x3650] =	vst v63  }
0x8a: {  	s14 =	simm.s32 $0x1350;
	s15 =	simm.s32 $0x2750  }
0x8b: {  	[tilespmem:s15], [sflag:$0x1] =	stream.indirect.gather [hbm4b:s4+s10], $0x1, s14, s10, $0xb8;
	[tilespmem:$0x3650] =	vst v63  }
0x8c: {  	s14 =	simm.s32 $0x13D0;
	s15 =	simm.s32 $0x27D0  }
0x8d: {  	[tilespmem:s15], [sflag:$0x1] =	stream.indirect.gather [hbm4b:s4+s10], $0x1, s14, s10, $0xb8;
	[tilespmem:$0x3650] =	vst v63  }
0x8e: {  	s15 =	simm.s32 $0x2850  }
0x8f: {  	[tilespmem:s15], [sflag:$0x1] =	stream.indirect.gather [hbm4b:s4+s10], $0x1, s31, s10, $0xb8;
	[tilespmem:$0x3650] =	vst v63  }
0x90: {  	s14 =	simm.s32 $0x14D0;
	s15 =	simm.s32 $0x28D0  }
0x91: {  	[tilespmem:s15], [sflag:$0x1] =	stream.indirect.gather [hbm4b:s4+s10], $0x1, s14, s10, $0xb8;
	[tilespmem:$0x3650] =	vst v63  }
0x92: {  	s14 =	simm.s32 $0x1550;
	s15 =	simm.s32 $0x2950  }
0x93: {  	[tilespmem:s15], [sflag:$0x1] =	stream.indirect.gather [hbm4b:s4+s10], $0x1, s14, s10, $0xb8;
	[tilespmem:$0x3650] =	vst v63  }
0x94: {  	s14 =	simm.s32 $0x15D0;
	s15 =	simm.s32 $0x29D0  }
0x95: {  	[tilespmem:s15], [sflag:$0x1] =	stream.indirect.gather [hbm4b:s4+s10], $0x1, s14, s10, $0xb8;
	[tilespmem:$0x3650] =	vst v63  }
0x96: {  	s15 =	simm.s32 $0x2A50  }
0x97: {  	[tilespmem:s15], [sflag:$0x1] =	stream.indirect.gather [hbm4b:s4+s10], $0x1, s6, s10, $0xb8;
	[tilespmem:$0x3650] =	vst v63  }
0x98: {  	s14 =	simm.s32 $0x16D0;
	s15 =	simm.s32 $0x2AD0  }
0x99: {  	[tilespmem:s15], [sflag:$0x1] =	stream.indirect.gather [hbm4b:s4+s10], $0x1, s14, s10, $0xb8;
	[tilespmem:$0x3650] =	vst v63  }
0x9a: {  	s14 =	simm.s32 $0x1750;
	s15 =	simm.s32 $0x2B50  }
0x9b: {  	[tilespmem:s15], [sflag:$0x1] =	stream.indirect.gather [hbm4b:s4+s10], $0x1, s14, s10, $0xb8;
	[tilespmem:$0x3650] =	vst v63  }
0x9c: {  	s14 =	simm.s32 $0x17D0;
	s15 =	simm.s32 $0x2BD0  }
0x9d: {  	[tilespmem:s15], [sflag:$0x1] =	stream.indirect.gather [hbm4b:s4+s10], $0x1, s14, s10, $0xb8;
	[tilespmem:$0x3650] =	vst v63  }
0x9e: {  	s15 =	simm.s32 $0x2C50  }
0x9f: {  	[tilespmem:s15], [sflag:$0x1] =	stream.indirect.gather [hbm4b:s4+s10], $0x1, s7, s10, $0xb8;
	[tilespmem:$0x3650] =	vst v63  }
0xa0: {  	s14 =	simm.s32 $0x18D0;
	s15 =	simm.s32 $0x2CD0  }
0xa1: {  	[tilespmem:s15], [sflag:$0x1] =	stream.indirect.gather [hbm4b:s4+s10], $0x1, s14, s10, $0xb8;
	[tilespmem:$0x3650] =	vst v63  }
0xa2: {  	s14 =	simm.s32 $0x1950;
	s15 =	simm.s32 $0x2D50  }
0xa3: {  	[tilespmem:s15], [sflag:$0x1] =	stream.indirect.gather [hbm4b:s4+s10], $0x1, s14, s10, $0xb8;
	[tilespmem:$0x3650] =	vst v63  }
0xa4: {  	s14 =	simm.s32 $0x19D0;
	s15 =	simm.s32 $0x2DD0  }
0xa5: {  	[tilespmem:s15], [sflag:$0x1] =	stream.indirect.gather [hbm4b:s4+s10], $0x1, s14, s10, $0xb8;
	[tilespmem:$0x3650] =	vst v63  }
0xa6: {  	s15 =	simm.s32 $0x2E50  }
0xa7: {  	[tilespmem:s15], [sflag:$0x1] =	stream.indirect.gather [hbm4b:s4+s10], $0x1, s8, s10, $0xb8;
	[tilespmem:$0x3650] =	vst v63  }
0xa8: {  	s14 =	simm.s32 $0x1AD0;
	s15 =	simm.s32 $0x2ED0  }
0xa9: {  	[tilespmem:s15], [sflag:$0x1] =	stream.indirect.gather [hbm4b:s4+s10], $0x1, s14, s10, $0xb8;
	[tilespmem:$0x3650] =	vst v63  }
0xaa: {  	s14 =	simm.s32 $0x1B50;
	s15 =	simm.s32 $0x2F50  }
0xab: {  	[tilespmem:s15], [sflag:$0x1] =	stream.indirect.gather [hbm4b:s4+s10], $0x1, s14, s10, $0xb8;
	[tilespmem:$0x3650] =	vst v63  }
0xac: {  	s14 =	simm.s32 $0x1BD0;
	s15 =	simm.s32 $0x2FD0  }
0xad: {  	[tilespmem:s15], [sflag:$0x1] =	stream.indirect.gather [hbm4b:s4+s10], $0x1, s14, s10, $0xb8;
	[tilespmem:$0x3650] =	vst v63  }
0xae: {  	s15 =	simm.s32 $0x3050  }
0xaf: {  	[tilespmem:s15], [sflag:$0x1] =	stream.indirect.gather [hbm4b:s4+s10], $0x1, s9, s10, $0xb8;
	[tilespmem:$0x3650] =	vst v63  }
0xb0: {  	s14 =	simm.s32 $0x1CD0;
	s15 =	simm.s32 $0x30D0  }
0xb1: {  	[tilespmem:s15], [sflag:$0x1] =	stream.indirect.gather [hbm4b:s4+s10], $0x1, s14, s10, $0xb8;
	[tilespmem:$0x3650] =	vst v63  }
0xb2: {  	s14 =	simm.s32 $0x1D50;
	s15 =	simm.s32 $0x3150  }
0xb3: {  	[tilespmem:s15], [sflag:$0x1] =	stream.indirect.gather [hbm4b:s4+s10], $0x1, s14, s10, $0xb8;
	[tilespmem:$0x3650] =	vst v63  }
0xb4: {  	s14 =	simm.s32 $0x1DD0;
	s15 =	simm.s32 $0x31D0  }
0xb5: {  	[tilespmem:s15], [sflag:$0x1] =	stream.indirect.gather [hbm4b:s4+s10], $0x1, s14, s10, $0xb8;
	[tilespmem:$0x3650] =	vst v63  }
0xb6: {  	_ =	swait.ge [sflag:s11], $0x80  }
0xb7: {  	[sflag:s11] =	ssyncset.done $0x0  }
0xb8: {  	[sflag:s11] =	ssyncadd.s32 $0xFFFFFF80  }
0xb9: {  	_ =	swait.ge [sflag:s11], $0x80  }
0xba: {  	[sflag:s11] =	ssyncset.done $0x0  }
0xbb: {  	[sflag:s11] =	ssyncadd.s32 $0xFFFFFF80  }
0xbc: {  	_ =	swait.ge [sflag:s11], $0x80  }
0xbd: {  	[sflag:s11] =	ssyncset.done $0x0  }
0xbe: {  	[sflag:s11] =	ssyncadd.s32 $0xFFFFFF80  }
0xbf: {  	_ =	swait.ge [sflag:s11], $0x80  }
0xc0: {  	[sflag:s11] =	ssyncset.done $0x0  }
0xc1: {  	[sflag:s11] =	ssyncadd.s32 $0xFFFFFF80  }
0xc2: {  	_ =	swait.ge [sflag:s11], $0x80  }
0xc3: {  	[sflag:s11] =	ssyncset.done $0x0  }
0xc4: {  	[sflag:s11] =	ssyncadd.s32 $0xFFFFFF80  }
0xc5: {  	_ =	swait.ge [sflag:s11], $0x80  }
0xc6: {  	[sflag:s11] =	ssyncset.done $0x0  }
0xc7: {  	[sflag:s11] =	ssyncadd.s32 $0xFFFFFF80  }
0xc8: {  	_ =	swait.ge [sflag:s11], $0x80  }
0xc9: {  	[sflag:s11] =	ssyncset.done $0x0  }
0xca: {  	[sflag:s11] =	ssyncadd.s32 $0xFFFFFF80  }
0xcb: {  	_ =	swait.ge [sflag:s11], $0x80  }
0xcc: {  	[sflag:s11] =	ssyncset.done $0x0  }
0xcd: {  	[sflag:s11] =	ssyncadd.s32 $0xFFFFFF80  }
0xce: {  	_ =	swait.ge [sflag:s11], $0x80  }
0xcf: {  	[sflag:s11] =	ssyncset.done $0x0  }
0xd0: {  	[sflag:s11] =	ssyncadd.s32 $0xFFFFFF80  }
0xd1: {  	_ =	swait.ge [sflag:s11], $0x80  }
0xd2: {  	[sflag:s11] =	ssyncset.done $0x0  }
0xd3: {  	[sflag:s11] =	ssyncadd.s32 $0xFFFFFF80  }
0xd4: {  	_ =	swait.ge [sflag:s11], $0x80  }
0xd5: {  	[sflag:s11] =	ssyncset.done $0x0  }
0xd6: {  	[sflag:s11] =	ssyncadd.s32 $0xFFFFFF80  }
0xd7: {  	_ =	swait.ge [sflag:s11], $0x80  }
0xd8: {  	[sflag:s11] =	ssyncset.done $0x0  }
0xd9: {  	[sflag:s11] =	ssyncadd.s32 $0xFFFFFF80  }
0xda: {  	_ =	swait.ge [sflag:s11], $0x80  }
0xdb: {  	[sflag:s11] =	ssyncset.done $0x0  }
0xdc: {  	[sflag:s11] =	ssyncadd.s32 $0xFFFFFF80  }
0xdd: {  	_ =	swait.ge [sflag:s11], $0x80  }
0xde: {  	[sflag:s11] =	ssyncset.done $0x0  }
0xdf: {  	[sflag:s11] =	ssyncadd.s32 $0xFFFFFF80  }
0xe0: {  	_ =	swait.ge [sflag:s11], $0x80  }
0xe1: {  	[sflag:s11] =	ssyncset.done $0x0  }
0xe2: {  	[sflag:s11] =	ssyncadd.s32 $0xFFFFFF80  }
0xe3: {  	_ =	swait.ge [sflag:s11], $0x80  }
0xe4: {  	[sflag:s11] =	ssyncset.done $0x0  }
0xe5: {  	[sflag:s11] =	ssyncadd.s32 $0xFFFFFF80  }
0xe6: {  	_ =	swait.ge [sflag:s11], $0x80  }
0xe7: {  	[sflag:s11] =	ssyncset.done $0x0  }
0xe8: {  	[sflag:s11] =	ssyncadd.s32 $0xFFFFFF80  }
0xe9: {  	_ =	swait.ge [sflag:s11], $0x80  }
0xea: {  	[sflag:s11] =	ssyncset.done $0x0  }
0xeb: {  	[sflag:s11] =	ssyncadd.s32 $0xFFFFFF80  }
0xec: {  	_ =	swait.ge [sflag:s11], $0x80  }
0xed: {  	[sflag:s11] =	ssyncset.done $0x0  }
0xee: {  	[sflag:s11] =	ssyncadd.s32 $0xFFFFFF80  }
0xef: {  	_ =	swait.ge [sflag:s11], $0x80  }
0xf0: {  	[sflag:s11] =	ssyncset.done $0x0  }
0xf1: {  	[sflag:s11] =	ssyncadd.s32 $0xFFFFFF80  }
0xf2: {  	_ =	swait.ge [sflag:s11], $0x80  }
0xf3: {  	[sflag:s11] =	ssyncset.done $0x0  }
0xf4: {  	[sflag:s11] =	ssyncadd.s32 $0xFFFFFF80  }
0xf5: {  	_ =	swait.ge [sflag:s11], $0x80  }
0xf6: {  	[sflag:s11] =	ssyncset.done $0x0  }
0xf7: {  	[sflag:s11] =	ssyncadd.s32 $0xFFFFFF80  }
0xf8: {  	_ =	swait.ge [sflag:s11], $0x80  }
0xf9: {  	[sflag:s11] =	ssyncset.done $0x0  }
0xfa: {  	[sflag:s11] =	ssyncadd.s32 $0xFFFFFF80  }
0xfb: {  	_ =	swait.ge [sflag:s11], $0x80  }
0xfc: {  	[sflag:s11] =	ssyncset.done $0x0  }
0xfd: {  	[sflag:s11] =	ssyncadd.s32 $0xFFFFFF80  }
0xfe: {  	_ =	swait.ge [sflag:s11], $0x80  }
0xff: {  	[sflag:s11] =	ssyncset.done $0x0  }
0x100: {  	[sflag:s11] =	ssyncadd.s32 $0xFFFFFF80  }
0x101: {  	_ =	swait.ge [sflag:s11], $0x80  }
0x102: {  	[sflag:s11] =	ssyncset.done $0x0  }
0x103: {  	[sflag:s11] =	ssyncadd.s32 $0xFFFFFF80  }
0x104: {  	_ =	swait.ge [sflag:s11], $0x80  }
0x105: {  	[sflag:s11] =	ssyncset.done $0x0  }
0x106: {  	[sflag:s11] =	ssyncadd.s32 $0xFFFFFF80  }
0x107: {  	_ =	swait.ge [sflag:s11], $0x80  }
0x108: {  	[sflag:s11] =	ssyncset.done $0x0  }
0x109: {  	[sflag:s11] =	ssyncadd.s32 $0xFFFFFF80  }
0x10a: {  	_ =	swait.ge [sflag:s11], $0x80  }
0x10b: {  	[sflag:s11] =	ssyncset.done $0x0  }
0x10c: {  	[sflag:s11] =	ssyncadd.s32 $0xFFFFFF80  }
0x10d: {  	_ =	swait.ge [sflag:s11], $0x80  }
0x10e: {  	[sflag:s11] =	ssyncset.done $0x0  }
0x10f: {  	[sflag:s11] =	ssyncadd.s32 $0xFFFFFF80  }
0x110: {  	_ =	swait.ge [sflag:s11], $0x80  }
0x111: {  	[sflag:s11] =	ssyncset.done $0x0  }
0x112: {  	[sflag:s11] =	ssyncadd.s32 $0xFFFFFF80  }
0x113: {  	_ =	swait.ge [sflag:s11], $0x80  }
0x114: {  	[sflag:s11] =	ssyncset.done $0x0  }
0x115: {  	[sflag:s11] =	ssyncadd.s32 $0xFFFFFF80  }
0x116: {  	_ =	swait.ge [sflag:s11], $0x80  }
0x117: {  	[sflag:s11] =	ssyncset.done $0x0  }
0x118: {  	[sflag:s11] =	ssyncadd.s32 $0xFFFFFF80  }
0x119: {  	_ =	swait.ge [sflag:s11], $0x80  }
0x11a: {  	[sflag:s11] =	ssyncset.done $0x0  }
0x11b: {  	[sflag:s11] =	ssyncadd.s32 $0xFFFFFF80  }
0x11c: {  	_ =	swait.ge [sflag:s11], $0x80  }
0x11d: {  	[sflag:s11] =	ssyncset.done $0x0  }
0x11e: {  	[sflag:s11] =	ssyncadd.s32 $0xFFFFFF80  }
0x11f: {  	_ =	swait.ge [sflag:s11], $0x80  }
0x120: {  	[sflag:s11] =	ssyncset.done $0x0  }
0x121: {  	[sflag:s11] =	ssyncadd.s32 $0xFFFFFF80  }
0x122: {  	_ =	swait.ge [sflag:s11], $0x80  }
0x123: {  	[sflag:s11] =	ssyncset.done $0x0  }
0x124: {  	[sflag:s11] =	ssyncadd.s32 $0xFFFFFF80  }
0x125: {  	_ =	swait.ge [sflag:s11], $0x80  }
0x126: {  	[sflag:s11] =	ssyncset.done $0x0  }
0x127: {  	[sflag:s11] =	ssyncadd.s32 $0xFFFFFF80  }
0x128: {  	_ =	swait.ge [sflag:s11], $0x80  }
0x129: {  	[sflag:s11] =	ssyncset.done $0x0  }
0x12a: {  	[sflag:s11] =	ssyncadd.s32 $0xFFFFFF80  }
0x12b: {  	_ =	swait.ge [sflag:s11], $0x80  }
0x12c: {  	[sflag:s11] =	ssyncset.done $0x0  }
0x12d: {  	[sflag:s11] =	ssyncadd.s32 $0xFFFFFF80  }
0x12e: {  	_ =	swait.ge [sflag:s11], $0x80  }
0x12f: {  	[sflag:s11] =	ssyncset.done $0x0  }
0x130: {  	[sflag:s11] =	ssyncadd.s32 $0xFFFFFF80  }
0x131: {  	_ =	swait.ge [sflag:s11], $0x80  }
0x132: {  	[sflag:s11] =	ssyncset.done $0x0  }
0x133: {  	[sflag:s11] =	ssyncadd.s32 $0xFFFFFF80  }
0x134: {  	_ =	swait.ge [sflag:s11], $0x80  }
0x135: {  	[sflag:s11] =	ssyncset.done $0x0  }
0x136: {  	[sflag:s11] =	ssyncadd.s32 $0xFFFFFF80  }
0x137: {  	_ =	swait.ge [sflag:s11], $0x80  }
0x138: {  	[sflag:s11] =	ssyncset.done $0x0  }
0x139: {  	s13 =	simm.s32 $0x0;
	[sflag:s11] =	ssyncadd.s32 $0xFFFFFF80  }
0x13a: {  	v0 =	vld [tilespmem:s13+$0x450]  }
0x13b: {  	v1 =	vld [tilespmem:s13+$0x250];
	_ =	sdelay $0x6  }
0x13c: {  	v0 =	vld.idx.msk [tilespmem:v0+s26+$0x0], $0xffff  }
0x13d: {  	v1 =	vld.idx.msk [tilespmem:v1+s25+$0x0], $0xffff;
	_ =	sdelay $0x1  }
0x13e: {  	v2 =	vld [tilespmem:s13+$0x3250];
	_ =	sdelay $0x1  }
0x13f: {  	v3 =	vld [tilespmem:s13+$0x1E50]  }
0x140: {  	v0 =	vadd.f32 v0, v1  }
0x141: {  	v1 =	vld [tilespmem:s13+$0x2050]  }
0x142: {  	v0 =	vadd.f32 v2, v0  }
0x143: {  	v2 =	vld [tilespmem:s13+$0x2250]  }
0x144: {  	v0 =	vadd.f32 v3, v0  }
0x145: {  	v3 =	vld [tilespmem:s13+$0x2450]  }
0x146: {  	v0 =	vadd.f32 v1, v0  }
0x147: {  	v1 =	vld [tilespmem:s13+$0x2650]  }
0x148: {  	v0 =	vadd.f32 v2, v0  }
0x149: {  	v2 =	vld [tilespmem:s13+$0x2850]  }
0x14a: {  	v0 =	vadd.f32 v3, v0  }
0x14b: {  	v3 =	vld [tilespmem:s13+$0x2A50]  }
0x14c: {  	v0 =	vadd.f32 v1, v0  }
0x14d: {  	v1 =	vld [tilespmem:s13+$0x2C50]  }
0x14e: {  	v5 =	vld [tilespmem:$0x140];
	v0 =	vadd.f32 v2, v0  }
0x14f: {  	v2 =	vld [tilespmem:s13+$0x2E50]  }
0x150: {  	v4 =	vld [tilespmem:s13+$0x850];
	v0 =	vadd.f32 v3, v0  }
0x151: {  	v3 =	vld [tilespmem:s13+$0x3050]  }
0x152: {  	v6 =	vadd.f32 v1, v0;
	_ =	sdelay $0x1  }
0x153: {  	s15 =	simm.s32 $0x10;
	v1 =	vbroadcast v5, $0x0;
	v0 =	vbroadcast v5, $0x1;
	v5 =	vadd.f32 v2, v6  }
0x154: {  	s14 =	simm.s32 $0x80;
	v2 =	vld [tilespmem:s15+$0x450]  }
.LBB2_2:
0x155: {  	p0 =	sne.s32 s14, $0x7C0;
	v6 =	vld [tilespmem:s15+$0x250];
	v3 =	vadd.f32 v3, v5;
	v4 =	vmul.f32 v4, v1;
	_ =	sdelay $0x1  }
0x156: {  	v3 =	vadd.f32 v4, v3;
	_ =	sdelay $0x1  }
0x157: {  	v3 =	vadd.f32 v3, v0;
	_ =	sdelay $0x1  }
0x158: {  	[tilespmem:s13+$0x3450] =	vst v3;
	s13 =	smov.u32 s15  }
0x159: {  	v2 =	vld.idx.msk [tilespmem:v2+s26+$0x0], $0xffff  }
0x15a: {  	v3 =	vld.idx.msk [tilespmem:v6+s25+$0x0], $0xffff;
	_ =	sdelay $0x2  }
0x15b: {  	v4 =	vld [tilespmem:s13+$0x3250];
	_ =	sdelay $0x1  }
0x15c: {  	v5 =	vld [tilespmem:s13+$0x1E50]  }
0x15d: {  	v2 =	vadd.f32 v2, v3  }
0x15e: {  	v3 =	vld [tilespmem:s13+$0x2050]  }
0x15f: {  	v2 =	vadd.f32 v4, v2  }
0x160: {  	v4 =	vld [tilespmem:s13+$0x2250]  }
0x161: {  	v2 =	vadd.f32 v5, v2  }
0x162: {  	v5 =	vld [tilespmem:s13+$0x2450]  }
0x163: {  	v2 =	vadd.f32 v3, v2  }
0x164: {  	v3 =	vld [tilespmem:s13+$0x2650]  }
0x165: {  	v2 =	vadd.f32 v4, v2  }
0x166: {  	v4 =	vld [tilespmem:s13+$0x2850]  }
0x167: {  	v2 =	vadd.f32 v5, v2  }
0x168: {  	v5 =	vld [tilespmem:s13+$0x2A50]  }
0x169: {  	v2 =	vadd.f32 v3, v2  }
0x16a: {  	v6 =	vld [tilespmem:s13+$0x2C50]  }
0x16b: {  	v2 =	vadd.f32 v4, v2  }
0x16c: {  	v7 =	vld [tilespmem:s13+$0x2E50]  }
0x16d: {  	v2 =	vadd.f32 v5, v2;
	v3 =	vld [tilespmem:s13+$0x3050]  }
.Ltmp0:
0x16e: {  	v4 =	vld [tilespmem:s13+$0x850];
	(pc) =	sbr.rel @p0 .LBB2_2-.Ltmp0, $3  }
0x16f: {  	v2 =	vadd.f32 v6, v2;
	_ =	sdelay $0x1  }
0x170: {  	s15 =	sshra.s32 s14, $0x2;
	v5 =	vadd.f32 v7, v2  }
0x171: {  	s14 =	sadd.s32 $0x40, s14;
	v2 =	vld [tilespmem:s15+$0x450]  }
0x172: {  	_ = 	snop  }
0x173: {  	v6 =	vld [tilespmem:s15+$0x250];
	v3 =	vadd.f32 v3, v5;
	v4 =	vmul.f32 v4, v1;
	_ =	sdelay $0x1  }
0x174: {  	v3 =	vadd.f32 v4, v3;
	_ =	sdelay $0x1  }
0x175: {  	v3 =	vadd.f32 v3, v0;
	_ =	sdelay $0x1  }
0x176: {  	[tilespmem:s13+$0x3450] =	vst v3  }
0x177: {  	v2 =	vld.idx.msk [tilespmem:v2+s26+$0x0], $0xffff  }
0x178: {  	v3 =	vld.idx.msk [tilespmem:v6+s25+$0x0], $0xffff;
	_ =	sdelay $0x1  }
0x179: {  	v50 =	vld [tilespmem:s15+$0x3250];
	_ =	sdelay $0x1  }
0x17a: {  	v51 =	vld [tilespmem:s15+$0x1E50]  }
0x17b: {  	v2 =	vadd.f32 v2, v3  }
0x17c: {  	v52 =	vld [tilespmem:s15+$0x2050]  }
0x17d: {  	v2 =	vadd.f32 v50, v2  }
0x17e: {  	v53 =	vld [tilespmem:s15+$0x2250]  }
0x17f: {  	v2 =	vadd.f32 v51, v2  }
0x180: {  	v54 =	vld [tilespmem:s15+$0x2450]  }
0x181: {  	v2 =	vadd.f32 v52, v2  }
0x182: {  	v55 =	vld [tilespmem:s15+$0x2650]  }
0x183: {  	v2 =	vadd.f32 v53, v2  }
0x184: {  	v56 =	vld [tilespmem:s15+$0x2850]  }
0x185: {  	v2 =	vadd.f32 v54, v2  }
0x186: {  	v57 =	vld [tilespmem:s15+$0x2A50]  }
0x187: {  	v2 =	vadd.f32 v55, v2  }
0x188: {  	v58 =	vld [tilespmem:s15+$0x2C50]  }
0x189: {  	v2 =	vadd.f32 v56, v2  }
0x18a: {  	v59 =	vld [tilespmem:s15+$0x2E50]  }
0x18b: {  	v60 =	vld [tilespmem:s15+$0x3050];
	v2 =	vadd.f32 v57, v2  }
0x18c: {  	v61 =	vld [tilespmem:s15+$0x850]  }
0x18d: {  	v2 =	vadd.f32 v58, v2;
	_ =	sdelay $0x1  }
0x18e: {  	v2 =	vadd.f32 v59, v2;
	_ =	sdelay $0x1  }
0x18f: {  	v62 =	vmul.f32 v61, v1;
	v2 =	vadd.f32 v60, v2;
	_ =	sdelay $0x1  }
0x190: {  	v1 =	vadd.f32 v62, v2;
	_ =	sdelay $0x1  }
0x191: {  	s12 =	sadd.s32 $0x1, s12;
	v63 =	vadd.f32 v1, v0  }
0x192: {  	p0 =	sne.s32 s12, s23  }
.Ltmp1:
0x193: {  	[tilespmem:s15+$0x3450] =	vst v63;
	s15 =	simm.s32 $0x3450;
	(pc) =	sbr.rel @p0 .LBB2_1-.Ltmp1, $4  }
0x194: {  	[hbm4b:s22+s2] =	stream.linear.scatter [tilespmem:s15], [sflag:$0x2], $0x200, $0x38;
	[tilespmem:$0x3650] =	vst v63  }
0x195: {  	_ =	swait.ge [sflag:s24], $0x200  }
0x196: {  	[sflag:s24] =	ssyncset.done $0x0  }
0x197: {  	[sflag:s24] =	ssyncadd.s32 $0xFFFFFE00  }
0x198: {  	_ =	sfence.sel $0x180000  }
0x199: {  	[bflag:$0x0] =	sbarrier.arrive $0xFFFF  }
0x19a: {  	_ =	strace $0x90000047  }
0x19b: {  	s0 =	stileid.u32;
	[bflag:$0x2] =	sbarrier.arrive $0xFFFF  }
0x19c: {  	p0 =	sne.s32 s0, $0x0;
	s0 =	rddreg [dreg:$0x6]  }
0x19d: {  	s0 =	sadd.s32 @!p0 $0x100000, s0  }
0x19e: {  	[sflag:s0] =	ssyncadd.tile.s32 @!p0 $0x1;
	_ =	shalt  }
.Lfunc_end2:
_tile_overlayer_lowered:
.L_overlay_start_2:
0x19f: {  	(tag) =	ssettag $0x2  }
0x1a0: {  	s0 =	rddreg [dreg:$0x0];
	s2 =	stileid.u32  }
0x1a1: {  	s1 =	rddreg [dreg:$0x1];
	p0 =	sne.s32 s2, $0x0  }
0x1a2: {  	s3 =	rddreg [dreg:$0x2];
	[bflag:$0x3] =	sbarrier.arrive $0xFFFF;
	s2 =	simm.s32 @!p0 $0x1C02  }
0x1a3: {  	[timem:s3], [sflag:s2] =	dma.local @!p0 [hbm:s0], s1  }
0x1a4: {  	s0 =	simm.s32 @!p0 $0x2  }
0x1a5: {  	_ =	swait.ge @!p0 [sflag:s0], s1  }
0x1a6: {  	s1 =	ssub.s32 @!p0 $0x0, s1;
	[sflag:s0] =	ssyncset.done @!p0 $0x0  }
0x1a7: {  	[sflag:s0] =	ssyncadd.s32 @!p0 s1  }
0x1a8: {  	[bflag:$0x3] =	sbarrier.arrive $0xFFFF  }
0x1a9: {  	_ =	shalt  }

// kernel: _run.9.cloned.1.call-start
scs
__scs_entry_jumppad:
0x0: {  	(pc) =	sbr.rel $0x88, $3  }
0x1: {  	(tag) =	ssettag $0x0;
	lr =	simm.s32 $0x1  }
0x2: {  	[smem:$0x3F94] =	sst lr;
	_ =	strace $0xD0000000  }
0x3: {  	_ = 	snop  }
0x4: {  	_ = 	snop  }
0x5: {  	_ = 	snop  }
0x6: {  	_ = 	snop  }
0x7: {  	_ = 	snop  }
__scs_overlays_trampoline_lowered:
0x8: {  	[smem:$0x3FA3] =	sst s0  }
0x9: {  	[smem:$0x3FA4] =	sst s1  }
0xa: {  	[smem:$0x3FA5] =	sst s2  }
0xb: {  	[smem:$0x3FA6] =	sst s3  }
0xc: {  	[smem:$0x3FA7] =	sst s4  }
0xd: {  	[smem:$0x3FA8] =	sst s5  }
0xe: {  	[smem:$0x3FA9] =	sst s6  }
0xf: {  	[smem:$0x3FAA] =	sst s7  }
0x10: {  	[smem:$0x3FAB] =	sst s8  }
0x11: {  	[smem:$0x3FAC] =	sst s9;
	s0 =	simm.s32 @!p0 $0x0  }
0x12: {  	s1 =	sld [smem:$0x3F92];
	s0 =	simm.s32 @p0 $0x1  }
0x13: {  	[smem:$0x3FAD] =	sst s0;
	s0 =	simm.s32 @!p1 $0x0  }
0x14: {  	s2 =	sld [smem:$0x3F91];
	s0 =	simm.s32 @p1 $0x1  }
0x15: {  	[smem:$0x3FAE] =	sst s0;
	s0 =	simm.s32 @!p2 $0x0  }
0x16: {  	s3 =	sld [smem:$0x3FDB];
	s0 =	simm.s32 @p2 $0x1  }
0x17: {  	s4 =	simm.s32 $0x1BF5;
	[smem:$0x3FB0] =	sst s0  }
0x18: {  	s0 =	sld [smem:$0x3F93];
	_ =	swait.ge [sflag:s4], $0x0  }
0x19: {  	s7 =	sld [smem:$0x3F94]  }
0x1a: {  	s8 =	sadd.s32 $0xFFFFE003, lr  }
0x1b: {  	s9 =	sadd.s32 $0xFFFFFEF7, lr;
	s5 =	simm.s32 $0xFFFFFFFF;
	p2 =	slt.u32 s8, $0xFFFFF086  }
0x1c: {  	p1 =	slt.u32 s9, $0xF7A;
	s5 =	simm.s32 @!p2 $0x0  }
0x1d: {  	s5 =	simm.s32 @p1 $0x1;
	p0 =	seq.s32 s7, s2  }
0x1e: {  	s7 =	smul.u32 @!p0 $0xF7A, s2;
	p2 =	seq.s32 @!p0 s5, $0x0  }
0x1f: {  	s9 =	smul.u32 $0xF7A, s1;
	s8 =	simm.s32 @!p0 $0x1BF5;
	p2 =	por !p2, p0  }
0x20: {  	[sflag:s8] =	ssyncset.s32 @!p0 $0xFFFFF086;
	s6 =	sadd.s32 @!p0 s3, s7;
	s7 =	simm.s32 @!p0 $0x108  }
0x21: {  	s3 =	sadd.s32 s3, s9;
	s6 =	sadd.s32 @!p0 $0x88, s6;
	s7 =	simm.s32 @p2 $0x1082  }
0x22: {  	[simem:s7], [sflag:s8] =	dma.local @!p0 [hbm:s6], $0xF7A  }
0x23: {  	s9 =	sor.u32 $0xD0000000, s2;
	s6 =	simm.s32 $0x108;
	_ =	swait.ge @!p0 [sflag:s8], $0x0  }
0x24: {  	s3 =	sadd.s32 $0x88, s3;
	s6 =	simm.s32 @!p1 $0x1082;
	[sflag:s4] =	ssyncset.s32 $0xFFFFF086  }
0x25: {  	[simem:s6], [sflag:s4] =	dma.local [hbm:s3], $0xF7A  }
0x26: {  	[smem:$0x3F94] =	sst s1;
	(tag) =	ssettag s2;
	_ =	strace s9  }
0x27: {  	s1 =	sld [smem:$0x3FA4]  }
0x28: {  	s2 =	sld [smem:$0x3FA5]  }
0x29: {  	s4 =	sld [smem:$0x3FA7]  }
0x2a: {  	p0 =	seq.s32 s5, $0x0;
	s5 =	sld [smem:$0x3FA8]  }
0x2b: {  	s6 =	sld [smem:$0x3FA9]  }
0x2c: {  	s7 =	sld [smem:$0x3FAA]  }
0x2d: {  	s3 =	simm.s32 $0x108;
	s8 =	sld [smem:$0x3FAB]  }
0x2e: {  	s3 =	simm.s32 @!p0 $0x1082;
	s9 =	sld [smem:$0x3FAC]  }
0x2f: {  	lr =	sadd.s32 s0, s3;
	s0 =	sld [smem:$0x3FA3]  }
0x30: {  	s3 =	sld [smem:$0x3FA6]  }
0x31: {  	[smem:$0x3FAF] =	sst s10  }
0x32: {  	s10 =	sld [smem:$0x3FAD];
	_ =	sdelay $0x3  }
0x33: {  	p0 =	seq.s32 s10, $0x1;
	s10 =	sld [smem:$0x3FAF];
	_ =	sdelay $0x3  }
0x34: {  	[smem:$0x3FAF] =	sst s10  }
0x35: {  	s10 =	sld [smem:$0x3FAE];
	_ =	sdelay $0x3  }
0x36: {  	p1 =	seq.s32 s10, $0x1;
	s10 =	sld [smem:$0x3FAF];
	_ =	sdelay $0x3  }
0x37: {  	[smem:$0x3FAF] =	sst s10  }
0x38: {  	s10 =	sld [smem:$0x3FB0]  }
0x39: {  	_ = 	snop;
	(pc) =	sbr.ind lr, $3  }
0x3a: {  	_ = 	snop  }
0x3b: {  	_ = 	snop  }
0x3c: {  	p2 =	seq.s32 s10, $0x1;
	s10 =	sld [smem:$0x3FAF]  }
0x3d: {  	_ =	shalt  }
0x3e: {  	_ =	shalt  }
0x3f: {  	_ =	shalt  }
0x40: {  	_ =	shalt  }
0x41: {  	_ =	shalt  }
0x42: {  	_ =	shalt  }
0x43: {  	_ =	shalt  }
0x44: {  	_ =	shalt  }
0x45: {  	_ =	shalt  }
0x46: {  	_ =	shalt  }
0x47: {  	_ =	shalt  }
0x48: {  	_ =	shalt  }
0x49: {  	_ =	shalt  }
0x4a: {  	_ =	shalt  }
0x4b: {  	_ =	shalt  }
0x4c: {  	_ =	shalt  }
0x4d: {  	_ =	shalt  }
0x4e: {  	_ =	shalt  }
0x4f: {  	_ =	shalt  }
0x50: {  	_ =	shalt  }
0x51: {  	_ =	shalt  }
0x52: {  	_ =	shalt  }
0x53: {  	_ =	shalt  }
0x54: {  	_ =	shalt  }
0x55: {  	_ =	shalt  }
0x56: {  	_ =	shalt  }
0x57: {  	_ =	shalt  }
0x58: {  	_ =	shalt  }
0x59: {  	_ =	shalt  }
0x5a: {  	_ =	shalt  }
0x5b: {  	_ =	shalt  }
0x5c: {  	_ =	shalt  }
0x5d: {  	_ =	shalt  }
0x5e: {  	_ =	shalt  }
0x5f: {  	_ =	shalt  }
0x60: {  	_ =	shalt  }
0x61: {  	_ =	shalt  }
0x62: {  	_ =	shalt  }
0x63: {  	_ =	shalt  }
0x64: {  	_ =	shalt  }
0x65: {  	_ =	shalt  }
0x66: {  	_ =	shalt  }
0x67: {  	_ =	shalt  }
0x68: {  	_ =	shalt  }
0x69: {  	_ =	shalt  }
0x6a: {  	_ =	shalt  }
0x6b: {  	_ =	shalt  }
0x6c: {  	_ =	shalt  }
0x6d: {  	_ =	shalt  }
0x6e: {  	_ =	shalt  }
0x6f: {  	_ =	shalt  }
0x70: {  	_ =	shalt  }
0x71: {  	_ =	shalt  }
0x72: {  	_ =	shalt  }
0x73: {  	_ =	shalt  }
0x74: {  	_ =	shalt  }
0x75: {  	_ =	shalt  }
0x76: {  	_ =	shalt  }
0x77: {  	_ =	shalt  }
0x78: {  	_ =	shalt  }
0x79: {  	_ =	shalt  }
0x7a: {  	_ =	shalt  }
0x7b: {  	_ =	shalt  }
0x7c: {  	_ =	shalt  }
0x7d: {  	_ =	shalt  }
0x7e: {  	_ =	shalt  }
0x7f: {  	_ =	shalt  }
0x80: {  	_ =	shalt  }
0x81: {  	_ =	shalt  }
0x82: {  	_ =	shalt  }
0x83: {  	_ =	shalt  }
0x84: {  	_ =	shalt  }
0x85: {  	_ =	shalt  }
0x86: {  	_ =	shalt  }
0x87: {  	_ =	shalt  }
.Lfunc_end0:
.L_simem_size_0:
called_computation.1_lowered:
.L_overlay_start_0:
0x88: {  	s2 =	sld [smem:$0x3FD9]  }
0x89: {  	s3 =	sld [smem:$0x3FFE];
	_ =	sdelay $0x1  }
0x8a: {  	s1 =	srdreg.scid  }
0x8b: {  	s0 =	sand.u32 $0x1, s1  }
0x8c: {  	s17 =	sshll.u32 s0, $0xA;
	s2 =	sadd.s32 s3, s2  }
0x8d: {  	s2 =	sadd.s32 s2, s17  }
0x8e: {  	[smem:$0x3FBB] =	sst s2  }
0x8f: {  	_ = 	snop  }
0x90: {  	s2 =	sld [smem:$0x3FC9]  }
0x91: {  	s18 =	sld [smem:$0x3FD0];
	(tm) =	ssettm $0x1  }
0x92: {  	s4 =	sld [smem:$0x3FFB];
	_ =	sdelay $0x3  }
0x93: {  	_ =	strace s4  }
0x94: {  	s4 =	sld [smem:$0x3FFC];
	_ =	sdelay $0x3  }
0x95: {  	_ =	strace s4  }
0x96: {  	s4 =	sld [smem:$0x3FFD];
	_ =	sdelay $0x3  }
0x97: {  	_ =	strace s4  }
0x98: {  	_ =	strace $0x8FFFFFFF  }
0x99: {  	s19 =	sld [smem:$0x3FDB];
	_ =	sdelay $0x1  }
0x9a: {  	s5 =	simm.s32 $_scs_section_size  }
0x9b: {  	s6 =	simm.s32 $_size__tile_overlayer_lowered;
	s7 =	simm.s32 $_tile_overlayer_lowered  }
0x9c: {  	s22 =	simm.s32 $0x1BFF;
	s21 =	sshll.u32 s7, $0x1;
	s4 =	sadd.s32 s5, s19  }
0x9d: {  	s8 =	simm.s32 $0x0;
	s20 =	sshll.u32 s6, $0x1;
	s6 =	sadd.s32 s21, s4  }
0x9e: {  	[timem:s8], [sflag:s22] =	dma.local [hbm:s6], s20  }
0x9f: {  	_ =	swait.ge [sflag:s22], s20  }
0xa0: {  	s5 =	ssub.s32 $0x0, s20;
	[sflag:s22] =	ssyncset.done $0x0  }
0xa1: {  	[sflag:s22] =	ssyncadd.s32 s5;
	_ =	sdelay $0x1  }
0xa2: {  	s23 =	simm.s32 $0x1B8B  }
0xa3: {  	_ =	swait.ge [sflag:s23], $0x1  }
0xa4: {  	[sflag:s23] =	ssyncset.done $0x0  }
0xa5: {  	s25 =	simm.s32 $0x1B8E;
	s24 =	sld [smem:$0x3FFE];
	[sflag:s23] =	ssyncadd.s32 $0xFFFFFFFF  }
0xa6: {  	s26 =	simm.s32 $execute0_lowered;
	[smem:$0x3FD2] =	sst s25  }
0xa7: {  	s6 =	sshll.u32 s26, $0x1;
	_ =	strace $0x80000049;
	[dreg:$0x1] =	wrdreg $0xFFFFFFFF  }
0xa8: {  	s28 =	simm.s32 $_size_execute0_lowered;
	s4 =	sadd.s32 s4, s6;
	[dreg:$0x0] =	wrdreg $0x0  }
0xa9: {  	s6 =	sshll.u32 s28, $0x1;
	[dreg:$0x2] =	wrdreg s4  }
0xaa: {  	[dreg:$0x3] =	wrdreg s6  }
0xab: {  	[dreg:$0x4] =	wrdreg $0xC0  }
0xac: {  	_ =	task [dreg:s8], $0x5FFFF  }
0xad: {  	[dreg:$0x1] =	wrdreg $0xFFFFFFFF  }
0xae: {  	[dreg:$0x0] =	wrdreg $0x60  }
0xaf: {  	[dreg:$0x2] =	wrdreg s2  }
0xb0: {  	[dreg:$0x3] =	wrdreg s24  }
0xb1: {  	[dreg:$0x4] =	wrdreg s18  }
0xb2: {  	[dreg:$0x5] =	wrdreg $0x9  }
0xb3: {  	_ =	task.clear_ibuf [dreg:s8], $0x6FFFF;
	_ =	strace $0x90000049  }
0xb4: {  	s29 =	simm.s32 $0x9;
	_ =	strace $0x8000004B  }
0xb5: {  	_ =	swait.ge [sflag:s29], $0x1  }
0xb6: {  	[sflag:s29] =	ssyncadd.s32 $0xFFFFFFFF  }
0xb7: {  	_ =	strace $0x9000004B  }
0xb8: {  	_ =	sfence  }
0xb9: {  	s30 =	sld [smem:$0x0];
	_ =	sdelay $0x2  }
0xba: {  	s31 =	sshll.u32 s1, $0xD;
	s1 =	sshrl.u32 s1, $0x2  }
0xbb: {  	s3 =	sand.u32 $0x4000, s31;
	s1 =	sadd.s32 s1, s30  }
0xbc: {  	s0 =	sor.u32 s3, s0;
	s1 =	sshll.u32 s1, $0x11  }
0xbd: {  	s0 =	sor.u32 s1, s0  }
0xbe: {  	s0 =	sadd.s32 $0x8F2B, s0  }
0xbf: {  	[sflag:s0] =	ssyncadd.remote.s32 $0x1  }
0xc0: {  	_ =	sfence.sel $0xFFFF  }
0xc1: {  	[dreg:$0x0] =	wrdreg $0xFFFFFFFF;
	(pc) =	sbr.abs _section_cstart, $3  }
0xc2: {  	[dreg:$0x1] =	wrdreg $0xFFFFFFFF  }
0xc3: {  	_ =	task.clear_ibuf [dreg:s8], $0x2FFFF;
	_ =	strace $0x9FFFFFFF  }
0xc4: {  	(tm) =	ssettm $0x7FFFFFFF  }
0xc5: {  	_ =	shalt  }
tec
execute0_lowered:
.L_overlay_start_1:
0x0: {  	(tag) =	ssettag $0x1  }
0x1: {  	s4 =	rddreg [dreg:$0x0]  }
0x2: {  	s3 =	rddreg [dreg:$0x1]  }
0x3: {  	s6 =	rddreg [dreg:$0x2]  }
0x4: {  	s0 =	rddreg [dreg:$0x3];
	s2 =	simm.s32 $0x0;
	s5 =	srdreg.scid  }
0x5: {  	s1 =	stileid.u32;
	s10 =	simm.s32 $0x80;
	s11 =	simm.s32 $0x400  }
0x6: {  	s12 =	simm.s32 $0x480;
	s13 =	simm.s32 $0x100;
	s14 =	simm.s32 $0x500  }
0x7: {  	s15 =	simm.s32 $0x180;
	s16 =	simm.s32 $0x580;
	s17 =	simm.s32 $0x1  }
0x8: {  	s18 =	simm.s32 $0x0;
	[smem:$0x7FF] =	sst s2;
	s5 =	sand.u32 $0x1, s5  }
0x9: {  	s7 =	sshll.u32 s1, $0x7;
	s8 =	sshll.u32 s5, $0x6;
	s5 =	ssub.s32 $0x2, s5  }
0xa: {  	_ =	strace $0x8000004A;
	s7 =	sor.u32 s8, s7;
	s31 =	sshrl.u32 s5, $0x1  }
0xb: {  	s9 =	sadd.s32 s7, s3;
	s3 =	sadd.s32 $0xD800, s3;
	s8 =	ssub.s32 s5, s31  }
0xc: {  	s4 =	sadd.s32 s4, s7;
	s6 =	sadd.s32 s6, s7;
	s5 =	sadd.s32 $0xD000, s9  }
0xd: {  	s7 =	smax.u32 s8, $0x1;
	s8 =	simm.s32 $0x2;
	s9 =	simm.s32 $0x200  }
.LBB2_1:
0xe: {  	[tilespmem:s2], [sflag:$0x2] =	stream.linear.gather [hbm4b:s4+s2], $0x200, $0x38;
	[tilespmem:$0x600] =	vst v63  }
0xf: {  	_ =	swait.ge [sflag:s8], $0x200  }
0x10: {  	[sflag:s8] =	ssyncset.done $0x0  }
0x11: {  	[sflag:s8] =	ssyncadd.s32 $0xFFFFFE00  }
0x12: {  	[tilespmem:s9], [sflag:$0x2] =	stream.linear.gather [hbm4b:s5+s2], $0x200, $0x38;
	[tilespmem:$0x600] =	vst v63  }
0x13: {  	_ =	swait.ge [sflag:s8], $0x200  }
0x14: {  	[sflag:s8] =	ssyncset.done $0x0  }
0x15: {  	[sflag:s8] =	ssyncadd.s32 $0xFFFFFE00  }
0x16: {  	[tilespmem:s11], [sflag:$0x1] =	stream.indirect.gather [hbm4b:s3+s10], $0x1, s2, s10, $0xb8;
	[tilespmem:$0x600] =	vst v63  }
0x17: {  	_ = 	snop  }
0x18: {  	[tilespmem:s12], [sflag:$0x1] =	stream.indirect.gather [hbm4b:s3+s10], $0x1, s10, s10, $0xb8;
	[tilespmem:$0x600] =	vst v63  }
0x19: {  	_ = 	snop  }
0x1a: {  	[tilespmem:s14], [sflag:$0x1] =	stream.indirect.gather [hbm4b:s3+s10], $0x1, s13, s10, $0xb8;
	[tilespmem:$0x600] =	vst v63  }
0x1b: {  	_ = 	snop  }
0x1c: {  	[tilespmem:s16], [sflag:$0x1] =	stream.indirect.gather [hbm4b:s3+s10], $0x1, s15, s10, $0xb8;
	[tilespmem:$0x600] =	vst v63  }
0x1d: {  	_ =	swait.ge [sflag:s17], $0x80  }
0x1e: {  	[sflag:s17] =	ssyncset.done $0x0  }
0x1f: {  	[sflag:s17] =	ssyncadd.s32 $0xFFFFFF80  }
0x20: {  	_ =	swait.ge [sflag:s17], $0x80  }
0x21: {  	[sflag:s17] =	ssyncset.done $0x0  }
0x22: {  	[sflag:s17] =	ssyncadd.s32 $0xFFFFFF80  }
0x23: {  	_ =	swait.ge [sflag:s17], $0x80  }
0x24: {  	[sflag:s17] =	ssyncset.done $0x0  }
0x25: {  	[sflag:s17] =	ssyncadd.s32 $0xFFFFFF80  }
0x26: {  	_ =	swait.ge [sflag:s17], $0x80  }
0x27: {  	[sflag:s17] =	ssyncset.done $0x0  }
0x28: {  	s19 =	simm.s32 $0x0;
	[sflag:s17] =	ssyncadd.s32 $0xFFFFFF80  }
0x29: {  	s20 =	simm.s32 $0x40;
	v0 =	vld [tilespmem:s19+$0x200]  }
.LBB2_2:
0x2a: {  	p0 =	sne.s32 s20, $0x7C0;
	v1 =	vld [tilespmem:s19+$0x400];
	_ =	sdelay $0x2  }
.Ltmp0:
0x2b: {  	(pc) =	sbr.rel @p0 .LBB2_2-.Ltmp0, $4  }
0x2c: {  	_ = 	snop  }
0x2d: {  	v1 =	vadd.f32 v0, v1  }
0x2e: {  	s21 =	sshra.s32 s20, $0x2  }
0x2f: {  	s20 =	sadd.s32 $0x40, s20;
	v0 =	vld [tilespmem:s21+$0x200];
	[tilespmem:s19+$0x400] =	vst v1;
	s19 =	smov.u32 s21  }
0x30: {  	v1 =	vld [tilespmem:s19+$0x400];
	_ =	sdelay $0x4  }
0x31: {  	s18 =	sadd.s32 $0x1, s18;
	v0 =	vadd.f32 v0, v1  }
0x32: {  	p0 =	sne.s32 s18, s7  }
.Ltmp1:
0x33: {  	[tilespmem:s19+$0x400] =	vst v0;
	(pc) =	sbr.rel @p0 .LBB2_1-.Ltmp1, $4  }
0x34: {  	[hbm4b:s6+s2] =	stream.linear.scatter [tilespmem:s11], [sflag:$0x2], $0x200, $0x38;
	[tilespmem:$0x600] =	vst v63  }
0x35: {  	_ =	swait.ge [sflag:s8], $0x200  }
0x36: {  	[sflag:s8] =	ssyncset.done $0x0  }
0x37: {  	[sflag:s8] =	ssyncadd.s32 $0xFFFFFE00  }
0x38: {  	_ =	sfence.sel $0x180000  }
0x39: {  	[bflag:$0x0] =	sbarrier.arrive $0xFFFF  }
0x3a: {  	p0 =	sne.s32 s1, $0x0;
	_ =	strace $0x9000004A  }
0x3b: {  	s0 =	sadd.s32 @!p0 $0x100000, s0;
	[bflag:$0x2] =	sbarrier.arrive $0xFFFF  }
0x3c: {  	[sflag:s0] =	ssyncadd.tile.s32 @!p0 $0x1;
	_ =	shalt  }
.Lfunc_end2:
_tile_overlayer_lowered:
.L_overlay_start_2:
0x3d: {  	(tag) =	ssettag $0x2  }
0x3e: {  	s0 =	rddreg [dreg:$0x0];
	s2 =	stileid.u32  }
0x3f: {  	s1 =	rddreg [dreg:$0x1];
	p0 =	sne.s32 s2, $0x0  }
0x40: {  	s3 =	rddreg [dreg:$0x2];
	[bflag:$0x3] =	sbarrier.arrive $0xFFFF;
	s2 =	simm.s32 @!p0 $0x1C02  }
0x41: {  	[timem:s3], [sflag:s2] =	dma.local @!p0 [hbm:s0], s1  }
0x42: {  	s0 =	simm.s32 @!p0 $0x2  }
0x43: {  	_ =	swait.ge @!p0 [sflag:s0], s1  }
0x44: {  	s1 =	ssub.s32 @!p0 $0x0, s1;
	[sflag:s0] =	ssyncset.done @!p0 $0x0  }
0x45: {  	[sflag:s0] =	ssyncadd.s32 @!p0 s1  }
0x46: {  	[bflag:$0x3] =	sbarrier.arrive $0xFFFF  }
0x47: {  	_ =	shalt  }

</sc_bundles>
